<compile_context>
chip_gen: v7x
topology: tpu7x:2x2x1
jax: 0.10.2.dev20260603
libtpu: 0.0.44.dev20260713+nightly
codegen_flags: <defaults>
</compile_context>

<pallas_src>
import functools

import jax
import jax.numpy as jnp
from jax import lax
from jax.experimental import pallas as pl
from jax.experimental.pallas import tpu as pltpu
from jax.experimental.pallas import tpu_sc as plsc

N = 10000
E = 320000
D = 128

NC = 2
NS = 16
NW = NC * NS
EPW = E // NW
NPAD = 10240
CHUNK = 80
NCHUNK = EPW // CHUNK
NAGG = 10240
ROWS_PER_TILE = NAGG // NS
ZROWS = 128


def _hist_body(src_hbm, dst_hbm, out_hbm, src_v, dst_v, ho_v, hi_v):
    cid = lax.axis_index("c")
    sid = lax.axis_index("s")
    wid = sid * NC + cid
    base = wid * EPW

    zeros16 = jnp.zeros((16,), jnp.float32)

    def zloop(i, _):
        ho_v[pl.ds(i * 16, 16)] = zeros16
        hi_v[pl.ds(i * 16, 16)] = zeros16
        return 0

    lax.fori_loop(0, NPAD // 16, zloop, 0)

    pltpu.sync_copy(src_hbm.at[pl.ds(base, EPW)], src_v)
    pltpu.sync_copy(dst_hbm.at[pl.ds(base, EPW)], dst_v)

    ones16 = jnp.ones((16,), jnp.float32)

    def hloop(i, _):
        s = src_v[pl.ds(i * 16, 16)]
        d = dst_v[pl.ds(i * 16, 16)]
        plsc.addupdate_scatter(ho_v, [s], ones16)
        plsc.addupdate_scatter(hi_v, [d], ones16)
        return 0

    lax.fori_loop(0, EPW // 16, hloop, 0)

    pltpu.sync_copy(ho_v, out_hbm.at[wid, 0])
    pltpu.sync_copy(hi_v, out_hbm.at[wid, 1])


def _sc_hist(src, dst):
    mesh = plsc.VectorSubcoreMesh(core_axis_name="c", subcore_axis_name="s")
    return pl.kernel(
        _hist_body,
        out_type=jax.ShapeDtypeStruct((NW, 2, NPAD), jnp.float32),
        mesh=mesh,
        compiler_params=pltpu.CompilerParams(needs_layout_passes=False),
        scratch_types=[
            pltpu.VMEM((EPW,), jnp.int32),
            pltpu.VMEM((EPW,), jnp.int32),
            pltpu.VMEM((NPAD,), jnp.float32),
            pltpu.VMEM((NPAD,), jnp.float32),
        ],
    )(src, dst)


def _prescale_body(h_ref, hparts_ref, hs_ref):
    deg = jnp.sum(hparts_ref[...], axis=0)
    ns = lax.rsqrt(jnp.clip(deg, 1.0, None))
    hs_ref[...] = h_ref[...] * ns[:N, None]


def _tc_prescale(h, hparts):
    return pl.pallas_call(
        _prescale_body,
        out_shape=jax.ShapeDtypeStruct((N, D), jnp.float32),
    )(h, hparts)


def _gs_body(hs_hbm, src_hbm, dst_hbm, out_hbm, si_v, di_v, rows_v, zb_v, agg_sh, sem):
    cid = lax.axis_index("c")
    sid = lax.axis_index("s")
    wid = sid * NC + cid

    zeros16 = jnp.zeros((16,), jnp.float32)

    def zloop(i, _):
        r = i // (D // 16)
        c = i % (D // 16)
        zb_v[r, pl.ds(c * 16, 16)] = zeros16
        return 0

    lax.fori_loop(0, ZROWS * (D // 16), zloop, 0)

    row0 = sid * ROWS_PER_TILE

    def zcopy(k, _):
        pltpu.sync_copy(zb_v, agg_sh.at[pl.ds(row0 + k * ZROWS, ZROWS)])
        return 0

    lax.fori_loop(0, ROWS_PER_TILE // ZROWS, zcopy, 0)
    plsc.subcore_barrier()

    base = wid * EPW

    def eloop(c, _):
        off = base + c * CHUNK
        pltpu.sync_copy(src_hbm.at[pl.ds(off, CHUNK)], si_v)
        pltpu.sync_copy(dst_hbm.at[pl.ds(off, CHUNK)], di_v)
        pltpu.async_copy(hs_hbm.at[si_v], rows_v, sem).wait()
        pltpu.sync_copy(rows_v, agg_sh.at[di_v], add=True)
        return 0

    lax.fori_loop(0, NCHUNK, eloop, 0)
    plsc.subcore_barrier()

    def wloop(k, _):
        r = row0 + k * ZROWS
        pltpu.sync_copy(agg_sh.at[pl.ds(r, ZROWS)], zb_v)
        pltpu.sync_copy(zb_v, out_hbm.at[cid, pl.ds(r, ZROWS)])
        return 0

    lax.fori_loop(0, ROWS_PER_TILE // ZROWS, wloop, 0)


def _sc_gather_scatter(hs, src, dst):
    mesh = plsc.VectorSubcoreMesh(core_axis_name="c", subcore_axis_name="s")
    return pl.kernel(
        _gs_body,
        out_type=jax.ShapeDtypeStruct((NC, NAGG, D), jnp.float32),
        mesh=mesh,
        scratch_types=[
            pltpu.VMEM((CHUNK,), jnp.int32),
            pltpu.VMEM((CHUNK,), jnp.int32),
            pltpu.VMEM((CHUNK, D), jnp.float32),
            pltpu.VMEM((ZROWS, D), jnp.float32),
            pltpu.VMEM_SHARED((NAGG, D), jnp.float32),
            pltpu.SemaphoreType.DMA,
        ],
    )(hs, src, dst)


def _finish_body(agg_ref, hparts_ref, w_ref, b_ref, out_ref):
    deg = jnp.sum(hparts_ref[...], axis=0)
    nd = lax.rsqrt(jnp.clip(deg, 1.0, None))
    rst = (agg_ref[0, :N] + agg_ref[1, :N]) * nd[:N, None]
    rst = jnp.dot(rst, w_ref[...], preferred_element_type=jnp.float32)
    rst = rst + b_ref[...][None, :]
    out_ref[...] = jnp.where(rst > 0, rst, jnp.exp(jnp.minimum(rst, 0.0)) - 1.0)


def _tc_finish(agg, hparts, W, b):
    return pl.pallas_call(
        _finish_body,
        out_shape=jax.ShapeDtypeStruct((N, D), jnp.float32),
    )(agg, hparts, W, b)


@jax.jit
def kernel(h, edge_index, W, b):
    src = edge_index[0]
    dst = edge_index[1]
    hist = _sc_hist(src, dst)
    ho = hist[:, 0, :]
    hi = hist[:, 1, :]
    hs = _tc_prescale(h, ho)
    agg = _sc_gather_scatter(hs, src, dst)
    return _tc_finish(agg, hi, W, b)

# --- scband reference (transcript-rebuilt; emitter-appended) ---
"""Pipeline reference for scband-classifier-proj-67345087201479 (READ-ONLY COPY).

The authoritative reference and input builder live on the scoring server;
editing this copy changes nothing except your own understanding.
"""

import jax, jax.numpy as jnp
import numpy as np

N = 10000
E = 320000
D_IN = 128
D_OUT = 128


def setup_inputs(seed: int = 0) -> dict:
    key = jax.random.key(seed)
    k1, k2, k3 = jax.random.split(key, 3)
    h = jax.random.normal(k1, (N, D_IN), dtype=jnp.float32)
    edge_index = jax.random.randint(k2, (2, E), 0, N, dtype=jnp.int32)
    # GraphConv learned parameters (glorot-ish init)
    W = jax.random.normal(k3, (D_IN, D_OUT), dtype=jnp.float32) * (1.0 / np.sqrt(D_IN))
    b = jnp.zeros((D_OUT,), dtype=jnp.float32)
    return {"h": h, "edge_index": edge_index, "W": W, "b": b}


def reference(h, edge_index, W, b):
    # DGL GraphConv with norm='both', weight=True, bias=True, activation=F.elu
    src = edge_index[0]
    dst = edge_index[1]
    ones = jnp.ones((E,), dtype=h.dtype)
    deg_out = jax.ops.segment_sum(ones, src, num_segments=N)  # out-degree of source nodes
    deg_in = jax.ops.segment_sum(ones, dst, num_segments=N)   # in-degree of dest nodes
    norm_src = jnp.power(jnp.clip(deg_out, 1.0, None), -0.5)
    norm_dst = jnp.power(jnp.clip(deg_in, 1.0, None), -0.5)
    # normalize source features
    h_src = h * norm_src[:, None]
    # message passing: gather from src, scatter-add to dst
    msg = jnp.take(h_src, src, axis=0)
    agg = jax.ops.segment_sum(msg, dst, num_segments=N)
    # normalize by dest degree
    rst = agg * norm_dst[:, None]
    # linear projection + bias (in_dim == out_dim so aggregate-first ordering matches DGL)
    rst = rst @ W + b
    # elu activation
    return jax.nn.elu(rst)

if __name__ == "__main__":
    import jax
    _d = setup_inputs()
    print(jax.jit(kernel)(*tuple(_d.values())))

</pallas_src>

<mosaic_0001>
#map = affine_map<(d0, d1) -> (0, 0)>
#map1 = affine_map<(d0, d1) -> (0)>
#map2 = affine_map<(d0, d1) -> (0, 0, 0)>
module attributes {stable_mosaic.version = 14 : i64} {
  func.func @_gs_body(%arg0: i32, %arg1: i32, %arg2: memref<10000x128xf32, #tpu.memory_space<hbm>>, %arg3: memref<320000xi32, #tpu.memory_space<hbm>>, %arg4: memref<320000xi32, #tpu.memory_space<hbm>>, %arg5: memref<2x10240x128xf32, #tpu.memory_space<hbm>>, %arg6: memref<80xi32, #tpu.memory_space<vmem>>, %arg7: memref<80xi32, #tpu.memory_space<vmem>>, %arg8: memref<80x128xf32, #tpu.memory_space<vmem>>, %arg9: memref<128x128xf32, #tpu.memory_space<vmem>>, %arg10: memref<10240x128xf32, #tpu.memory_space<vmem_shared>>, %arg11: memref<!tpu.dma_semaphore, #tpu.memory_space<semaphore_mem>>) attributes {dimension_semantics = [#tpu.dimension_semantics<core_parallel>, #tpu.dimension_semantics<subcore_parallel>], iteration_bounds = array<i64: 2, 16>, scalar_prefetch = 0 : i64, scratch_operands = 6 : i64, tpu.core_type = #tpu.core_type<sc_vector_subcore>, window_params = [{transform_indices = #map}, {transform_indices = #map1}, {transform_indices = #map1}, {transform_indices = #map2}]} {
    %mul3A = arith.constant 2 : i32
    %mul3A_0 = arith.muli %arg1, %mul3A : i32
    %add3A = arith.addi %mul3A_0, %arg0 : i32
    %broadcast_in_dim3A = arith.constant 0.000000e+00 : f32
    %broadcast_in_dim3A_1 = vector.broadcast %broadcast_in_dim3A : f32 to vector<16xf32>
    %scan3A = arith.constant 0 : i32
    %scan3A_2 = arith.constant 0 : i32
    %scan3A_3 = arith.constant 1024 : i32
    %scan3A_4 = arith.addi %scan3A_2, %scan3A_3 : i32
    %scan3A_5 = arith.constant 1 : i32
    %scan3A_6 = scf.for %scan3A_34 = %scan3A_2 to %scan3A_4 step %scan3A_5 iter_args(%scan3A_35 = %scan3A) -> (i32)  : i32 {
      %jit3A = arith.constant 8 : i32
      %div3A = arith.divsi %scan3A_34, %jit3A : i32
      %sign3A = arith.constant 0 : i32
      %sign3A_36 = arith.cmpi sgt, %scan3A_34, %sign3A : i32
      %sign3A_37 = arith.extui %sign3A_36 : i1 to i32
      %sign3A_38 = arith.constant 0 : i32
      %sign3A_39 = arith.cmpi slt, %scan3A_34, %sign3A_38 : i32
      %sign3A_40 = arith.extui %sign3A_39 : i1 to i32
      %sign3A_41 = arith.subi %sign3A_37, %sign3A_40 : i32
      %sign3A_42 = arith.constant 0 : i32
      %sign3A_43 = arith.cmpi sgt, %jit3A, %sign3A_42 : i32
      %sign3A_44 = arith.extui %sign3A_43 : i1 to i32
      %sign3A_45 = arith.constant 0 : i32
      %sign3A_46 = arith.cmpi slt, %jit3A, %sign3A_45 : i32
      %sign3A_47 = arith.extui %sign3A_46 : i1 to i32
      %sign3A_48 = arith.subi %sign3A_44, %sign3A_47 : i32
      %ne3A = arith.cmpi ne, %sign3A_41, %sign3A_48 : i32
      %rem3A = arith.remsi %scan3A_34, %jit3A : i32
      %ne3A_49 = arith.constant 0 : i32
      %ne3A_50 = arith.cmpi ne, %rem3A, %ne3A_49 : i32
      %and3A = arith.andi %ne3A, %ne3A_50 : i1
      %sub3A = arith.constant 1 : i32
      %sub3A_51 = arith.subi %div3A, %sub3A : i32
      %select_n3A = arith.select %and3A, %sub3A_51, %div3A : i32
      %jit3A_52 = arith.constant 8 : i32
      %eq3A = arith.constant 0 : i32
      %eq3A_53 = arith.cmpi eq, %jit3A_52, %eq3A : i32
      %jit3A_54 = arith.constant 1 : i32
      %select_n3A_55 = arith.select %eq3A_53, %jit3A_54, %jit3A_52 : i32
      %rem3A_56 = arith.remsi %scan3A_34, %select_n3A_55 : i32
      %ne3A_57 = arith.constant 0 : i32
      %ne3A_58 = arith.cmpi ne, %rem3A_56, %ne3A_57 : i32
      %lt3A = arith.constant 0 : i32
      %lt3A_59 = arith.cmpi slt, %rem3A_56, %lt3A : i32
      %lt3A_60 = arith.constant 0 : i32
      %lt3A_61 = arith.cmpi slt, %select_n3A_55, %lt3A_60 : i32
      %ne3A_62 = arith.xori %lt3A_59, %lt3A_61 : i1
      %and3A_63 = arith.andi %ne3A_62, %ne3A_58 : i1
      %add3A_64 = arith.addi %rem3A_56, %select_n3A_55 : i32
      %select_n3A_65 = arith.select %and3A_63, %add3A_64, %rem3A_56 : i32
      %mul3A_66 = arith.constant 16 : i32
      %mul3A_67 = arith.muli %select_n3A_65, %mul3A_66 : i32
      %swap3A = arith.index_cast %select_n3A : i32 to index
      %swap3A_68 = arith.index_cast %mul3A_67 : i32 to index
      %swap3A_69 = tpu.vector_load %arg9[%swap3A, %swap3A_68] {strides = array<i32>} : memref<128x128xf32, #tpu.memory_space<vmem>>, vector<1x16xf32>,
      %swap3A_70 = vector.shape_cast %swap3A_69 : vector<1x16xf32> to vector<16xf32>
      %swap3A_71 = vector.shape_cast %broadcast_in_dim3A_1 : vector<16xf32> to vector<1x16xf32>
      tpu.vector_store %arg9[%swap3A, %swap3A_68], %swap3A_71 {strides = array<i32>} : memref<128x128xf32, #tpu.memory_space<vmem>>, vector<1x16xf32>,
      %scan3A_72 = arith.constant 0 : i32
      scf.yield %scan3A_72 : i32
    }
    %scan3A_7 = arith.constant 1024 : i32
    %mul3A_8 = arith.constant 640 : i32
    %mul3A_9 = arith.muli %arg1, %mul3A_8 : i32
    %scan3A_10 = arith.constant 0 : i32
    %scan3A_11 = arith.constant 0 : i32
    %scan3A_12 = arith.constant 5 : i32
    %scan3A_13 = arith.addi %scan3A_11, %scan3A_12 : i32
    %scan3A_14 = arith.constant 1 : i32
    %scan3A_15 = scf.for %scan3A_34 = %scan3A_11 to %scan3A_13 step %scan3A_14 iter_args(%scan3A_35 = %scan3A_10) -> (i32)  : i32 {
      %mul3A_36 = arith.constant 128 : i32
      %mul3A_37 = arith.muli %scan3A_34, %mul3A_36 : i32
      %add3A_38 = arith.addi %mul3A_9, %mul3A_37 : i32
      "tpu.region"() ({
        %run_scoped3A = tpu.sem_alloc : memref<!tpu.dma_semaphore, #tpu.memory_space<semaphore_mem>>
        %dma_start3A = arith.constant 0 : i32
        %dma_start3A_40 = tpu.memref_slice %arg10[%add3A_38, %dma_start3A] : memref<10240x128xf32, #tpu.memory_space<vmem_shared>> -> memref<128x128xf32, #tpu.memory_space<vmem_shared>>
        %dma_start3A_41 = arith.constant 0 : i32
        %dma_start3A_42 = tpu.memref_slice %arg10[%add3A_38, %dma_start3A_41] : memref<10240x128xf32, #tpu.memory_space<vmem_shared>> -> memref<128x128xf32, #tpu.memory_space<vmem_shared>>
        tpu.enqueue_dma source(%arg9 : memref<128x128xf32, #tpu.memory_space<vmem>>) target(%dma_start3A_42 : memref<128x128xf32, #tpu.memory_space<vmem_shared>>) target_semaphore(%run_scoped3A : memref<!tpu.dma_semaphore, #tpu.memory_space<semaphore_mem>>)
        %dma_wait3A = arith.constant 0 : i32
        %dma_wait3A_43 = tpu.memref_slice %arg10[%add3A_38, %dma_wait3A] : memref<10240x128xf32, #tpu.memory_space<vmem_shared>> -> memref<128x128xf32, #tpu.memory_space<vmem_shared>>
        %dma_wait3A_44 = arith.constant 0 : i32
        %dma_wait3A_45 = tpu.memref_slice %arg10[%add3A_38, %dma_wait3A_44] : memref<10240x128xf32, #tpu.memory_space<vmem_shared>> -> memref<128x128xf32, #tpu.memory_space<vmem_shared>>
        tpu.wait_dma2 semaphore(%run_scoped3A : memref<!tpu.dma_semaphore, #tpu.memory_space<semaphore_mem>>) src(%arg9 : memref<128x128xf32, #tpu.memory_space<vmem>>) dst(%dma_wait3A_45 : memref<128x128xf32, #tpu.memory_space<vmem_shared>>)
        tpu.yield
      }) : () -> ()
      %scan3A_39 = arith.constant 0 : i32
      scf.yield %scan3A_39 : i32
    }
    %scan3A_16 = arith.constant 5 : i32
    %barrier3A = arith.constant 0 : index
    tpu.barrier barrier_id(%barrier3A)
    %mul3A_17 = arith.constant 10000 : i32
    %mul3A_18 = arith.muli %add3A, %mul3A_17 : i32
    %scan3A_19 = arith.constant 0 : i32
    %scan3A_20 = arith.constant 0 : i32
    %scan3A_21 = arith.constant 125 : i32
    %scan3A_22 = arith.addi %scan3A_20, %scan3A_21 : i32
    %scan3A_23 = arith.constant 1 : i32
    %scan3A_24 = scf.for %scan3A_34 = %scan3A_20 to %scan3A_22 step %scan3A_23 iter_args(%scan3A_35 = %scan3A_19) -> (i32)  : i32 {
      %mul3A_36 = arith.constant 80 : i32
      %mul3A_37 = arith.muli %scan3A_34, %mul3A_36 : i32
      %add3A_38 = arith.addi %mul3A_18, %mul3A_37 : i32
      "tpu.region"() ({
        %run_scoped3A = tpu.sem_alloc : memref<!tpu.dma_semaphore, #tpu.memory_space<semaphore_mem>>
        %dma_start3A_44 = tpu.memref_slice %arg3[%add3A_38] : memref<320000xi32, #tpu.memory_space<hbm>> -> memref<80xi32, #tpu.memory_space<hbm>>
        %dma_start3A_45 = tpu.memref_slice %arg3[%add3A_38] : memref<320000xi32, #tpu.memory_space<hbm>> -> memref<80xi32, #tpu.memory_space<hbm>>
        tpu.enqueue_dma source(%dma_start3A_45 : memref<80xi32, #tpu.memory_space<hbm>>) target(%arg6 : memref<80xi32, #tpu.memory_space<vmem>>) target_semaphore(%run_scoped3A : memref<!tpu.dma_semaphore, #tpu.memory_space<semaphore_mem>>)
        %dma_wait3A_46 = tpu.memref_slice %arg3[%add3A_38] : memref<320000xi32, #tpu.memory_space<hbm>> -> memref<80xi32, #tpu.memory_space<hbm>>
        %dma_wait3A_47 = tpu.memref_slice %arg3[%add3A_38] : memref<320000xi32, #tpu.memory_space<hbm>> -> memref<80xi32, #tpu.memory_space<hbm>>
        tpu.wait_dma2 semaphore(%run_scoped3A : memref<!tpu.dma_semaphore, #tpu.memory_space<semaphore_mem>>) src(%dma_wait3A_47 : memref<80xi32, #tpu.memory_space<hbm>>) dst(%arg6 : memref<80xi32, #tpu.memory_space<vmem>>)
        tpu.yield
      }) : () -> ()
      "tpu.region"() ({
        %run_scoped3A = tpu.sem_alloc : memref<!tpu.dma_semaphore, #tpu.memory_space<semaphore_mem>>
        %dma_start3A_44 = tpu.memref_slice %arg4[%add3A_38] : memref<320000xi32, #tpu.memory_space<hbm>> -> memref<80xi32, #tpu.memory_space<hbm>>
        %dma_start3A_45 = tpu.memref_slice %arg4[%add3A_38] : memref<320000xi32, #tpu.memory_space<hbm>> -> memref<80xi32, #tpu.memory_space<hbm>>
        tpu.enqueue_dma source(%dma_start3A_45 : memref<80xi32, #tpu.memory_space<hbm>>) target(%arg7 : memref<80xi32, #tpu.memory_space<vmem>>) target_semaphore(%run_scoped3A : memref<!tpu.dma_semaphore, #tpu.memory_space<semaphore_mem>>)
        %dma_wait3A_46 = tpu.memref_slice %arg4[%add3A_38] : memref<320000xi32, #tpu.memory_space<hbm>> -> memref<80xi32, #tpu.memory_space<hbm>>
        %dma_wait3A_47 = tpu.memref_slice %arg4[%add3A_38] : memref<320000xi32, #tpu.memory_space<hbm>> -> memref<80xi32, #tpu.memory_space<hbm>>
        tpu.wait_dma2 semaphore(%run_scoped3A : memref<!tpu.dma_semaphore, #tpu.memory_space<semaphore_mem>>) src(%dma_wait3A_47 : memref<80xi32, #tpu.memory_space<hbm>>) dst(%arg7 : memref<80xi32, #tpu.memory_space<vmem>>)
        tpu.yield
      }) : () -> ()
      %dma_start3A = arith.constant 0 : i32
      %dma_start3A_39 = arith.constant 0 : i32
      %dma_start3A_40 = tpu.memref_slice %arg2[%dma_start3A, %dma_start3A_39] : memref<10000x128xf32, #tpu.memory_space<hbm>> -> memref<10000x128xf32, #tpu.memory_space<hbm>>
      tpu.enqueue_indirect_dma source(%dma_start3A_40 : memref<10000x128xf32, #tpu.memory_space<hbm>>) target(%arg8 : memref<80x128xf32, #tpu.memory_space<vmem>>) offsets(%arg6 : memref<80xi32, #tpu.memory_space<vmem>>) semaphore(%arg11 : memref<!tpu.dma_semaphore, #tpu.memory_space<semaphore_mem>>)
      %dma_wait3A = arith.constant 0 : i32
      %dma_wait3A_41 = arith.constant 0 : i32
      %dma_wait3A_42 = tpu.memref_slice %arg2[%dma_wait3A, %dma_wait3A_41] : memref<10000x128xf32, #tpu.memory_space<hbm>> -> memref<10000x128xf32, #tpu.memory_space<hbm>>
      tpu.wait_indirect_dma semaphore(%arg11 : memref<!tpu.dma_semaphore, #tpu.memory_space<semaphore_mem>>) src(%dma_wait3A_42 : memref<10000x128xf32, #tpu.memory_space<hbm>>) dst(%arg8 : memref<80x128xf32, #tpu.memory_space<vmem>>)
      "tpu.region"() ({
        %run_scoped3A = tpu.sem_alloc : memref<!tpu.dma_semaphore, #tpu.memory_space<semaphore_mem>>
        %dma_start3A_44 = arith.constant 0 : i32
        %dma_start3A_45 = arith.constant 0 : i32
        %dma_start3A_46 = tpu.memref_slice %arg10[%dma_start3A_44, %dma_start3A_45] : memref<10240x128xf32, #tpu.memory_space<vmem_shared>> -> memref<10240x128xf32, #tpu.memory_space<vmem_shared>>
        tpu.enqueue_indirect_dma source(%arg8 : memref<80x128xf32, #tpu.memory_space<vmem>>) target(%dma_start3A_46 : memref<10240x128xf32, #tpu.memory_space<vmem_shared>>) offsets(%arg7 : memref<80xi32, #tpu.memory_space<vmem>>) semaphore(%run_scoped3A : memref<!tpu.dma_semaphore, #tpu.memory_space<semaphore_mem>>) {add = true}
        %dma_wait3A_47 = arith.constant 0 : i32
        %dma_wait3A_48 = arith.constant 0 : i32
        %dma_wait3A_49 = tpu.memref_slice %arg10[%dma_wait3A_47, %dma_wait3A_48] : memref<10240x128xf32, #tpu.memory_space<vmem_shared>> -> memref<10240x128xf32, #tpu.memory_space<vmem_shared>>
        tpu.wait_indirect_dma semaphore(%run_scoped3A : memref<!tpu.dma_semaphore, #tpu.memory_space<semaphore_mem>>) src(%arg8 : memref<80x128xf32, #tpu.memory_space<vmem>>) dst(%dma_wait3A_49 : memref<10240x128xf32, #tpu.memory_space<vmem_shared>>)
        tpu.yield
      }) : () -> ()
      %scan3A_43 = arith.constant 0 : i32
      scf.yield %scan3A_43 : i32
    }
    %scan3A_25 = arith.constant 125 : i32
    %barrier3A_26 = arith.constant 0 : index
    tpu.barrier barrier_id(%barrier3A_26)
    %scan3A_27 = arith.constant 0 : i32
    %scan3A_28 = arith.constant 0 : i32
    %scan3A_29 = arith.constant 5 : i32
    %scan3A_30 = arith.addi %scan3A_28, %scan3A_29 : i32
    %scan3A_31 = arith.constant 1 : i32
    %scan3A_32 = scf.for %scan3A_34 = %scan3A_28 to %scan3A_30 step %scan3A_31 iter_args(%scan3A_35 = %scan3A_27) -> (i32)  : i32 {
      %mul3A_36 = arith.constant 128 : i32
      %mul3A_37 = arith.muli %scan3A_34, %mul3A_36 : i32
      %add3A_38 = arith.addi %mul3A_9, %mul3A_37 : i32
      "tpu.region"() ({
        %run_scoped3A = tpu.sem_alloc : memref<!tpu.dma_semaphore, #tpu.memory_space<semaphore_mem>>
        %dma_start3A = arith.constant 0 : i32
        %dma_start3A_40 = tpu.memref_slice %arg10[%add3A_38, %dma_start3A] : memref<10240x128xf32, #tpu.memory_space<vmem_shared>> -> memref<128x128xf32, #tpu.memory_space<vmem_shared>>
        %dma_start3A_41 = arith.constant 0 : i32
        %dma_start3A_42 = tpu.memref_slice %arg10[%add3A_38, %dma_start3A_41] : memref<10240x128xf32, #tpu.memory_space<vmem_shared>> -> memref<128x128xf32, #tpu.memory_space<vmem_shared>>
        tpu.enqueue_dma source(%dma_start3A_42 : memref<128x128xf32, #tpu.memory_space<vmem_shared>>) target(%arg9 : memref<128x128xf32, #tpu.memory_space<vmem>>) target_semaphore(%run_scoped3A : memref<!tpu.dma_semaphore, #tpu.memory_space<semaphore_mem>>)
        %dma_wait3A = arith.constant 0 : i32
        %dma_wait3A_43 = tpu.memref_slice %arg10[%add3A_38, %dma_wait3A] : memref<10240x128xf32, #tpu.memory_space<vmem_shared>> -> memref<128x128xf32, #tpu.memory_space<vmem_shared>>
        %dma_wait3A_44 = arith.constant 0 : i32
        %dma_wait3A_45 = tpu.memref_slice %arg10[%add3A_38, %dma_wait3A_44] : memref<10240x128xf32, #tpu.memory_space<vmem_shared>> -> memref<128x128xf32, #tpu.memory_space<vmem_shared>>
        tpu.wait_dma2 semaphore(%run_scoped3A : memref<!tpu.dma_semaphore, #tpu.memory_space<semaphore_mem>>) src(%dma_wait3A_45 : memref<128x128xf32, #tpu.memory_space<vmem_shared>>) dst(%arg9 : memref<128x128xf32, #tpu.memory_space<vmem>>)
        tpu.yield
      }) : () -> ()
      "tpu.region"() ({
        %run_scoped3A = tpu.sem_alloc : memref<!tpu.dma_semaphore, #tpu.memory_space<semaphore_mem>>
        %dma_start3A = arith.constant 0 : i32
        %dma_start3A_40 = tpu.memref_slice %arg5[%arg0, %add3A_38, %dma_start3A] : memref<2x10240x128xf32, #tpu.memory_space<hbm>> -> memref<1x128x128xf32, #tpu.memory_space<hbm>>
        %dma_start3A_41 = tpu.memref_squeeze %dma_start3A_40 : memref<1x128x128xf32, #tpu.memory_space<hbm>> -> memref<128x128xf32, #tpu.memory_space<hbm>>
        %dma_start3A_42 = arith.constant 0 : i32
        %dma_start3A_43 = tpu.memref_slice %arg5[%arg0, %add3A_38, %dma_start3A_42] : memref<2x10240x128xf32, #tpu.memory_space<hbm>> -> memref<1x128x128xf32, #tpu.memory_space<hbm>>
        %dma_start3A_44 = tpu.memref_squeeze %dma_start3A_43 : memref<1x128x128xf32, #tpu.memory_space<hbm>> -> memref<128x128xf32, #tpu.memory_space<hbm>>
        tpu.enqueue_dma source(%arg9 : memref<128x128xf32, #tpu.memory_space<vmem>>) target(%dma_start3A_44 : memref<128x128xf32, #tpu.memory_space<hbm>>) target_semaphore(%run_scoped3A : memref<!tpu.dma_semaphore, #tpu.memory_space<semaphore_mem>>)
        %dma_wait3A = arith.constant 0 : i32
        %dma_wait3A_45 = tpu.memref_slice %arg5[%arg0, %add3A_38, %dma_wait3A] : memref<2x10240x128xf32, #tpu.memory_space<hbm>> -> memref<1x128x128xf32, #tpu.memory_space<hbm>>
        %dma_wait3A_46 = tpu.memref_squeeze %dma_wait3A_45 : memref<1x128x128xf32, #tpu.memory_space<hbm>> -> memref<128x128xf32, #tpu.memory_space<hbm>>
        %dma_wait3A_47 = arith.constant 0 : i32
        %dma_wait3A_48 = tpu.memref_slice %arg5[%arg0, %add3A_38, %dma_wait3A_47] : memref<2x10240x128xf32, #tpu.memory_space<hbm>> -> memref<1x128x128xf32, #tpu.memory_space<hbm>>
        %dma_wait3A_49 = tpu.memref_squeeze %dma_wait3A_48 : memref<1x128x128xf32, #tpu.memory_space<hbm>> -> memref<128x128xf32, #tpu.memory_space<hbm>>
        tpu.wait_dma2 semaphore(%run_scoped3A : memref<!tpu.dma_semaphore, #tpu.memory_space<semaphore_mem>>) src(%arg9 : memref<128x128xf32, #tpu.memory_space<vmem>>) dst(%dma_wait3A_49 : memref<128x128xf32, #tpu.memory_space<hbm>>)
        tpu.yield
      }) : () -> ()
      %scan3A_39 = arith.constant 0 : i32
      scf.yield %scan3A_39 : i32
    }
    %scan3A_33 = arith.constant 5 : i32
    return
  }
}

#map = affine_map<(d0, d1) -> (0)>
#map1 = affine_map<(d0, d1) -> (0, 0, 0)>
module attributes {stable_mosaic.version = 14 : i64} {
  func.func @_hist_body(%arg0: i32, %arg1: i32, %arg2: memref<320000xi32, #tpu.memory_space<hbm>>, %arg3: memref<320000xi32, #tpu.memory_space<hbm>>, %arg4: memref<32x2x10240xf32, #tpu.memory_space<hbm>>, %arg5: memref<10000xi32, #tpu.memory_space<vmem>>, %arg6: memref<10000xi32, #tpu.memory_space<vmem>>, %arg7: memref<10240xf32, #tpu.memory_space<vmem>>, %arg8: memref<10240xf32, #tpu.memory_space<vmem>>) attributes {dimension_semantics = [#tpu.dimension_semantics<core_parallel>, #tpu.dimension_semantics<subcore_parallel>], iteration_bounds = array<i64: 2, 16>, scalar_prefetch = 0 : i64, scratch_operands = 4 : i64, tpu.core_type = #tpu.core_type<sc_vector_subcore>, window_params = [{transform_indices = #map}, {transform_indices = #map}, {transform_indices = #map1}]} {
    %mul3A = arith.constant 2 : i32
    %mul3A_0 = arith.muli %arg1, %mul3A : i32
    %add3A = arith.addi %mul3A_0, %arg0 : i32
    %mul3A_1 = arith.constant 10000 : i32
    %mul3A_2 = arith.muli %add3A, %mul3A_1 : i32
    %broadcast_in_dim3A = arith.constant 0.000000e+00 : f32
    %broadcast_in_dim3A_3 = vector.broadcast %broadcast_in_dim3A : f32 to vector<16xf32>
    %scan3A = arith.constant 0 : i32
    %scan3A_4 = arith.constant 0 : i32
    %scan3A_5 = arith.constant 640 : i32
    %scan3A_6 = arith.addi %scan3A_4, %scan3A_5 : i32
    %scan3A_7 = arith.constant 1 : i32
    %scan3A_8 = scf.for %scan3A_20 = %scan3A_4 to %scan3A_6 step %scan3A_7 iter_args(%scan3A_21 = %scan3A) -> (i32)  : i32 {
      %mul3A_22 = arith.constant 16 : i32
      %mul3A_23 = arith.muli %scan3A_20, %mul3A_22 : i32
      %swap3A = arith.index_cast %mul3A_23 : i32 to index
      %swap3A_24 = tpu.vector_load %arg7[%swap3A] {strides = array<i32>} : memref<10240xf32, #tpu.memory_space<vmem>>, vector<16xf32>,
      tpu.vector_store %arg7[%swap3A], %broadcast_in_dim3A_3 {strides = array<i32>} : memref<10240xf32, #tpu.memory_space<vmem>>, vector<16xf32>,
      %mul3A_25 = arith.constant 16 : i32
      %mul3A_26 = arith.muli %scan3A_20, %mul3A_25 : i32
      %swap3A_27 = arith.index_cast %mul3A_26 : i32 to index
      %swap3A_28 = tpu.vector_load %arg8[%swap3A_27] {strides = array<i32>} : memref<10240xf32, #tpu.memory_space<vmem>>, vector<16xf32>,
      tpu.vector_store %arg8[%swap3A_27], %broadcast_in_dim3A_3 {strides = array<i32>} : memref<10240xf32, #tpu.memory_space<vmem>>, vector<16xf32>,
      %scan3A_29 = arith.constant 0 : i32
      scf.yield %scan3A_29 : i32
    }
    %scan3A_9 = arith.constant 640 : i32
    "tpu.region"() ({
      %run_scoped3A_20 = tpu.sem_alloc : memref<!tpu.dma_semaphore, #tpu.memory_space<semaphore_mem>>
      %dma_start3A = tpu.memref_slice %arg2[%mul3A_2] : memref<320000xi32, #tpu.memory_space<hbm>> -> memref<10000xi32, #tpu.memory_space<hbm>>
      %dma_start3A_21 = tpu.memref_slice %arg2[%mul3A_2] : memref<320000xi32, #tpu.memory_space<hbm>> -> memref<10000xi32, #tpu.memory_space<hbm>>
      tpu.enqueue_dma source(%dma_start3A_21 : memref<10000xi32, #tpu.memory_space<hbm>>) target(%arg5 : memref<10000xi32, #tpu.memory_space<vmem>>) target_semaphore(%run_scoped3A_20 : memref<!tpu.dma_semaphore, #tpu.memory_space<semaphore_mem>>)
      %dma_wait3A = tpu.memref_slice %arg2[%mul3A_2] : memref<320000xi32, #tpu.memory_space<hbm>> -> memref<10000xi32, #tpu.memory_space<hbm>>
      %dma_wait3A_22 = tpu.memref_slice %arg2[%mul3A_2] : memref<320000xi32, #tpu.memory_space<hbm>> -> memref<10000xi32, #tpu.memory_space<hbm>>
      tpu.wait_dma2 semaphore(%run_scoped3A_20 : memref<!tpu.dma_semaphore, #tpu.memory_space<semaphore_mem>>) src(%dma_wait3A_22 : memref<10000xi32, #tpu.memory_space<hbm>>) dst(%arg5 : memref<10000xi32, #tpu.memory_space<vmem>>)
      tpu.yield
    }) : () -> ()
    "tpu.region"() ({
      %run_scoped3A_20 = tpu.sem_alloc : memref<!tpu.dma_semaphore, #tpu.memory_space<semaphore_mem>>
      %dma_start3A = tpu.memref_slice %arg3[%mul3A_2] : memref<320000xi32, #tpu.memory_space<hbm>> -> memref<10000xi32, #tpu.memory_space<hbm>>
      %dma_start3A_21 = tpu.memref_slice %arg3[%mul3A_2] : memref<320000xi32, #tpu.memory_space<hbm>> -> memref<10000xi32, #tpu.memory_space<hbm>>
      tpu.enqueue_dma source(%dma_start3A_21 : memref<10000xi32, #tpu.memory_space<hbm>>) target(%arg6 : memref<10000xi32, #tpu.memory_space<vmem>>) target_semaphore(%run_scoped3A_20 : memref<!tpu.dma_semaphore, #tpu.memory_space<semaphore_mem>>)
      %dma_wait3A = tpu.memref_slice %arg3[%mul3A_2] : memref<320000xi32, #tpu.memory_space<hbm>> -> memref<10000xi32, #tpu.memory_space<hbm>>
      %dma_wait3A_22 = tpu.memref_slice %arg3[%mul3A_2] : memref<320000xi32, #tpu.memory_space<hbm>> -> memref<10000xi32, #tpu.memory_space<hbm>>
      tpu.wait_dma2 semaphore(%run_scoped3A_20 : memref<!tpu.dma_semaphore, #tpu.memory_space<semaphore_mem>>) src(%dma_wait3A_22 : memref<10000xi32, #tpu.memory_space<hbm>>) dst(%arg6 : memref<10000xi32, #tpu.memory_space<vmem>>)
      tpu.yield
    }) : () -> ()
    %broadcast_in_dim3A_10 = arith.constant 1.000000e+00 : f32
    %broadcast_in_dim3A_11 = vector.broadcast %broadcast_in_dim3A_10 : f32 to vector<16xf32>
    %scan3A_12 = arith.constant 0 : i32
    %scan3A_13 = arith.constant 0 : i32
    %scan3A_14 = arith.constant 625 : i32
    %scan3A_15 = arith.addi %scan3A_13, %scan3A_14 : i32
    %scan3A_16 = arith.constant 1 : i32
    %scan3A_17 = scf.for %scan3A_20 = %scan3A_13 to %scan3A_15 step %scan3A_16 iter_args(%scan3A_21 = %scan3A_12) -> (i32)  : i32 {
      %mul3A_22 = arith.constant 16 : i32
      %mul3A_23 = arith.muli %scan3A_20, %mul3A_22 : i32
      %get3A = arith.index_cast %mul3A_23 : i32 to index
      %get3A_24 = tpu.vector_load %arg5[%get3A] {strides = array<i32>} : memref<10000xi32, #tpu.memory_space<vmem>>, vector<16xi32>,
      %mul3A_25 = arith.constant 16 : i32
      %mul3A_26 = arith.muli %scan3A_20, %mul3A_25 : i32
      %get3A_27 = arith.index_cast %mul3A_26 : i32 to index
      %get3A_28 = tpu.vector_load %arg6[%get3A_27] {strides = array<i32>} : memref<10000xi32, #tpu.memory_space<vmem>>, vector<16xi32>,
      tpu.vector_store_idx %arg7[%get3A_24], %broadcast_in_dim3A_11 {add = true} : memref<10240xf32, #tpu.memory_space<vmem>>[vector<16xi32>], vector<16xf32>,
      tpu.vector_store_idx %arg8[%get3A_28], %broadcast_in_dim3A_11 {add = true} : memref<10240xf32, #tpu.memory_space<vmem>>[vector<16xi32>], vector<16xf32>,
      %scan3A_29 = arith.constant 0 : i32
      scf.yield %scan3A_29 : i32
    }
    %scan3A_18 = arith.constant 625 : i32
    %run_scoped3A = arith.constant 0 : i32
    "tpu.region"() ({
      %run_scoped3A_20 = tpu.sem_alloc : memref<!tpu.dma_semaphore, #tpu.memory_space<semaphore_mem>>
      %dma_start3A = arith.constant 0 : i32
      %dma_start3A_21 = tpu.memref_slice %arg4[%add3A, %run_scoped3A, %dma_start3A] : memref<32x2x10240xf32, #tpu.memory_space<hbm>> -> memref<1x1x10240xf32, #tpu.memory_space<hbm>>
      %dma_start3A_22 = tpu.memref_squeeze %dma_start3A_21 : memref<1x1x10240xf32, #tpu.memory_space<hbm>> -> memref<10240xf32, #tpu.memory_space<hbm>>
      %dma_start3A_23 = arith.constant 0 : i32
      %dma_start3A_24 = tpu.memref_slice %arg4[%add3A, %run_scoped3A, %dma_start3A_23] : memref<32x2x10240xf32, #tpu.memory_space<hbm>> -> memref<1x1x10240xf32, #tpu.memory_space<hbm>>
      %dma_start3A_25 = tpu.memref_squeeze %dma_start3A_24 : memref<1x1x10240xf32, #tpu.memory_space<hbm>> -> memref<10240xf32, #tpu.memory_space<hbm>>
      tpu.enqueue_dma source(%arg7 : memref<10240xf32, #tpu.memory_space<vmem>>) target(%dma_start3A_25 : memref<10240xf32, #tpu.memory_space<hbm>>) target_semaphore(%run_scoped3A_20 : memref<!tpu.dma_semaphore, #tpu.memory_space<semaphore_mem>>)
      %dma_wait3A = arith.constant 0 : i32
      %dma_wait3A_26 = tpu.memref_slice %arg4[%add3A, %run_scoped3A, %dma_wait3A] : memref<32x2x10240xf32, #tpu.memory_space<hbm>> -> memref<1x1x10240xf32, #tpu.memory_space<hbm>>
      %dma_wait3A_27 = tpu.memref_squeeze %dma_wait3A_26 : memref<1x1x10240xf32, #tpu.memory_space<hbm>> -> memref<10240xf32, #tpu.memory_space<hbm>>
      %dma_wait3A_28 = arith.constant 0 : i32
      %dma_wait3A_29 = tpu.memref_slice %arg4[%add3A, %run_scoped3A, %dma_wait3A_28] : memref<32x2x10240xf32, #tpu.memory_space<hbm>> -> memref<1x1x10240xf32, #tpu.memory_space<hbm>>
      %dma_wait3A_30 = tpu.memref_squeeze %dma_wait3A_29 : memref<1x1x10240xf32, #tpu.memory_space<hbm>> -> memref<10240xf32, #tpu.memory_space<hbm>>
      tpu.wait_dma2 semaphore(%run_scoped3A_20 : memref<!tpu.dma_semaphore, #tpu.memory_space<semaphore_mem>>) src(%arg7 : memref<10240xf32, #tpu.memory_space<vmem>>) dst(%dma_wait3A_30 : memref<10240xf32, #tpu.memory_space<hbm>>)
      tpu.yield
    }) : () -> ()
    %run_scoped3A_19 = arith.constant 1 : i32
    "tpu.region"() ({
      %run_scoped3A_20 = tpu.sem_alloc : memref<!tpu.dma_semaphore, #tpu.memory_space<semaphore_mem>>
      %dma_start3A = arith.constant 0 : i32
      %dma_start3A_21 = tpu.memref_slice %arg4[%add3A, %run_scoped3A_19, %dma_start3A] : memref<32x2x10240xf32, #tpu.memory_space<hbm>> -> memref<1x1x10240xf32, #tpu.memory_space<hbm>>
      %dma_start3A_22 = tpu.memref_squeeze %dma_start3A_21 : memref<1x1x10240xf32, #tpu.memory_space<hbm>> -> memref<10240xf32, #tpu.memory_space<hbm>>
      %dma_start3A_23 = arith.constant 0 : i32
      %dma_start3A_24 = tpu.memref_slice %arg4[%add3A, %run_scoped3A_19, %dma_start3A_23] : memref<32x2x10240xf32, #tpu.memory_space<hbm>> -> memref<1x1x10240xf32, #tpu.memory_space<hbm>>
      %dma_start3A_25 = tpu.memref_squeeze %dma_start3A_24 : memref<1x1x10240xf32, #tpu.memory_space<hbm>> -> memref<10240xf32, #tpu.memory_space<hbm>>
      tpu.enqueue_dma source(%arg8 : memref<10240xf32, #tpu.memory_space<vmem>>) target(%dma_start3A_25 : memref<10240xf32, #tpu.memory_space<hbm>>) target_semaphore(%run_scoped3A_20 : memref<!tpu.dma_semaphore, #tpu.memory_space<semaphore_mem>>)
      %dma_wait3A = arith.constant 0 : i32
      %dma_wait3A_26 = tpu.memref_slice %arg4[%add3A, %run_scoped3A_19, %dma_wait3A] : memref<32x2x10240xf32, #tpu.memory_space<hbm>> -> memref<1x1x10240xf32, #tpu.memory_space<hbm>>
      %dma_wait3A_27 = tpu.memref_squeeze %dma_wait3A_26 : memref<1x1x10240xf32, #tpu.memory_space<hbm>> -> memref<10240xf32, #tpu.memory_space<hbm>>
      %dma_wait3A_28 = arith.constant 0 : i32
      %dma_wait3A_29 = tpu.memref_slice %arg4[%add3A, %run_scoped3A_19, %dma_wait3A_28] : memref<32x2x10240xf32, #tpu.memory_space<hbm>> -> memref<1x1x10240xf32, #tpu.memory_space<hbm>>
      %dma_wait3A_30 = tpu.memref_squeeze %dma_wait3A_29 : memref<1x1x10240xf32, #tpu.memory_space<hbm>> -> memref<10240xf32, #tpu.memory_space<hbm>>
      tpu.wait_dma2 semaphore(%run_scoped3A_20 : memref<!tpu.dma_semaphore, #tpu.memory_space<semaphore_mem>>) src(%arg8 : memref<10240xf32, #tpu.memory_space<vmem>>) dst(%dma_wait3A_30 : memref<10240xf32, #tpu.memory_space<hbm>>)
      tpu.yield
    }) : () -> ()
    return
  }
}

module attributes {stable_mosaic.version = 14 : i64} {
  func.func @_prescale_body(%arg0: memref<10000x128xf32, #tpu.memory_space<vmem>>, %arg1: memref<32x10240xf32, #tpu.memory_space<vmem>>, %arg2: memref<10000x128xf32, #tpu.memory_space<vmem>>) attributes {dimension_semantics = [], scalar_prefetch = 0 : i64, scratch_operands = 0 : i64, tpu.core_type = #tpu.core_type<tc>} {
    %get3A = arith.constant 0 : index
    %get3A_0 = arith.constant 0 : index
    %get3A_1 = vector.load %arg1[%get3A, %get3A_0] : memref<32x10240xf32, #tpu.memory_space<vmem>>, vector<32x10240xf32>
    %reduce_sum3A = arith.constant dense<0.000000e+00> : vector<10240xf32>
    %reduce_sum3A_2 = vector.multi_reduction <add>, %get3A_1, %reduce_sum3A [0] : vector<32x10240xf32> to vector<10240xf32>
    %jit3A = arith.constant 1.000000e+00 : f32
    %max3A = vector.broadcast %jit3A : f32 to vector<10240xf32>
    %max3A_3 = arith.maximumf %max3A, %reduce_sum3A_2 : vector<10240xf32>
    %rsqrt3A = math.rsqrt %max3A_3 : vector<10240xf32>
    %get3A_4 = arith.constant 0 : index
    %get3A_5 = arith.constant 0 : index
    %get3A_6 = vector.load %arg0[%get3A_4, %get3A_5] : memref<10000x128xf32, #tpu.memory_space<vmem>>, vector<10000x128xf32>
    %slice3A = vector.extract_strided_slice %rsqrt3A {offsets = [0], sizes = [10000], strides = [1]} : vector<10240xf32> to vector<10000xf32>
    %broadcast_in_dim3A = vector.shape_cast %slice3A : vector<10000xf32> to vector<10000x1xf32>
    %mul3A = vector.broadcast %broadcast_in_dim3A : vector<10000x1xf32> to vector<10000x128xf32>
    %mul3A_7 = arith.mulf %get3A_6, %mul3A : vector<10000x128xf32>
    %swap3A = arith.constant 0 : index
    %swap3A_8 = arith.constant 0 : index
    %swap3A_9 = vector.load %arg2[%swap3A, %swap3A_8] : memref<10000x128xf32, #tpu.memory_space<vmem>>, vector<10000x128xf32>
    tpu.vector_store %arg2[%swap3A, %swap3A_8], %mul3A_7 {strides = array<i32>} : memref<10000x128xf32, #tpu.memory_space<vmem>>, vector<10000x128xf32>,
    return
  }
}

module attributes {stable_mosaic.version = 14 : i64} {
  func.func @_finish_body(%arg0: memref<2x10240x128xf32, #tpu.memory_space<vmem>>, %arg1: memref<32x10240xf32, #tpu.memory_space<vmem>>, %arg2: memref<128x128xf32, #tpu.memory_space<vmem>>, %arg3: memref<128xf32, #tpu.memory_space<vmem>>, %arg4: memref<10000x128xf32, #tpu.memory_space<vmem>>) attributes {dimension_semantics = [], scalar_prefetch = 0 : i64, scratch_operands = 0 : i64, tpu.core_type = #tpu.core_type<tc>} {
    %get3A = arith.constant 0 : index
    %get3A_0 = arith.constant 0 : index
    %get3A_1 = vector.load %arg1[%get3A, %get3A_0] : memref<32x10240xf32, #tpu.memory_space<vmem>>, vector<32x10240xf32>
    %reduce_sum3A = arith.constant dense<0.000000e+00> : vector<10240xf32>
    %reduce_sum3A_2 = vector.multi_reduction <add>, %get3A_1, %reduce_sum3A [0] : vector<32x10240xf32> to vector<10240xf32>
    %jit3A = arith.constant 1.000000e+00 : f32
    %max3A = vector.broadcast %jit3A : f32 to vector<10240xf32>
    %max3A_3 = arith.maximumf %max3A, %reduce_sum3A_2 : vector<10240xf32>
    %rsqrt3A = math.rsqrt %max3A_3 : vector<10240xf32>
    %get3A_4 = arith.constant 0 : index
    %get3A_5 = arith.constant 0 : index
    %get3A_6 = arith.constant 0 : index
    %get3A_7 = vector.load %arg0[%get3A_4, %get3A_5, %get3A_6] : memref<2x10240x128xf32, #tpu.memory_space<vmem>>, vector<1x10000x128xf32>
    %get3A_8 = vector.shape_cast %get3A_7 : vector<1x10000x128xf32> to vector<10000x128xf32>
    %get3A_9 = arith.constant 1 : index
    %get3A_10 = arith.constant 0 : index
    %get3A_11 = arith.constant 0 : index
    %get3A_12 = vector.load %arg0[%get3A_9, %get3A_10, %get3A_11] : memref<2x10240x128xf32, #tpu.memory_space<vmem>>, vector<1x10000x128xf32>
    %get3A_13 = vector.shape_cast %get3A_12 : vector<1x10000x128xf32> to vector<10000x128xf32>
    %add3A = arith.addf %get3A_8, %get3A_13 : vector<10000x128xf32>
    %slice3A = vector.extract_strided_slice %rsqrt3A {offsets = [0], sizes = [10000], strides = [1]} : vector<10240xf32> to vector<10000xf32>
    %broadcast_in_dim3A = vector.shape_cast %slice3A : vector<10000xf32> to vector<10000x1xf32>
    %mul3A = vector.broadcast %broadcast_in_dim3A : vector<10000x1xf32> to vector<10000x128xf32>
    %mul3A_14 = arith.mulf %add3A, %mul3A : vector<10000x128xf32>
    %get3A_15 = arith.constant 0 : index
    %get3A_16 = arith.constant 0 : index
    %get3A_17 = vector.load %arg2[%get3A_15, %get3A_16] : memref<128x128xf32, #tpu.memory_space<vmem>>, vector<128x128xf32>
    %dot_general3A = arith.constant dense<0.000000e+00> : vector<10000x128xf32>
    %dot_general3A_18 = tpu.matmul %mul3A_14, %get3A_17, %dot_general3A {dimension_numbers = #tpu.dot_dimension_numbers<[1], [0], [0], [1], [0, 0, 1, 1], [], []>, transpose_lhs_hint = false} : vector<10000x128xf32>, vector<128x128xf32>, vector<10000x128xf32> -> vector<10000x128xf32>
    %get3A_19 = arith.constant 0 : index
    %get3A_20 = vector.load %arg3[%get3A_19] : memref<128xf32, #tpu.memory_space<vmem>>, vector<128xf32>
    %broadcast_in_dim3A_21 = vector.shape_cast %get3A_20 : vector<128xf32> to vector<1x128xf32>
    %add3A_22 = vector.broadcast %broadcast_in_dim3A_21 : vector<1x128xf32> to vector<10000x128xf32>
    %add3A_23 = arith.addf %dot_general3A_18, %add3A_22 : vector<10000x128xf32>
    %gt3A = arith.constant 0.000000e+00 : f32
    %gt3A_24 = vector.broadcast %gt3A : f32 to vector<10000x128xf32>
    %gt3A_25 = arith.cmpf ogt, %add3A_23, %gt3A_24 : vector<10000x128xf32>
    %min3A = arith.constant 0.000000e+00 : f32
    %min3A_26 = vector.broadcast %min3A : f32 to vector<10000x128xf32>
    %min3A_27 = arith.minimumf %add3A_23, %min3A_26 : vector<10000x128xf32>
    %exp3A = math.exp %min3A_27 : vector<10000x128xf32>
    %sub3A = arith.constant 1.000000e+00 : f32
    %sub3A_28 = vector.broadcast %sub3A : f32 to vector<10000x128xf32>
    %sub3A_29 = arith.subf %exp3A, %sub3A_28 : vector<10000x128xf32>
    %select_n3A = arith.select %gt3A_25, %add3A_23, %sub3A_29 : vector<10000x128xi1>, vector<10000x128xf32>
    %swap3A = arith.constant 0 : index
    %swap3A_30 = arith.constant 0 : index
    %swap3A_31 = vector.load %arg4[%swap3A, %swap3A_30] : memref<10000x128xf32, #tpu.memory_space<vmem>>, vector<10000x128xf32>
    tpu.vector_store %arg4[%swap3A, %swap3A_30], %select_n3A {strides = array<i32>} : memref<10000x128xf32, #tpu.memory_space<vmem>>, vector<10000x128xf32>,
    return
  }
}

</mosaic_0001>

<sc_bundles>
// kernel: kernel.6.cloned.1.call-start
scs
__scs_entry_jumppad:
0x0: {  	(pc) =	sbr.rel $0x88, $3  }
0x1: {  	(tag) =	ssettag $0x0;
	lr =	simm.s32 $0x1  }
0x2: {  	[smem:$0x3F9D] =	sst lr;
	_ =	strace $0xD0000000  }
0x3: {  	_ = 	snop  }
0x4: {  	_ = 	snop  }
0x5: {  	_ = 	snop  }
0x6: {  	_ = 	snop  }
0x7: {  	_ = 	snop  }
__scs_overlays_trampoline_lowered:
0x8: {  	[smem:$0x3FAC] =	sst s0  }
0x9: {  	[smem:$0x3FAD] =	sst s1  }
0xa: {  	[smem:$0x3FAE] =	sst s2  }
0xb: {  	[smem:$0x3FAF] =	sst s3  }
0xc: {  	[smem:$0x3FB0] =	sst s4  }
0xd: {  	[smem:$0x3FB1] =	sst s5  }
0xe: {  	[smem:$0x3FB2] =	sst s6  }
0xf: {  	[smem:$0x3FB3] =	sst s7  }
0x10: {  	[smem:$0x3FB4] =	sst s8  }
0x11: {  	[smem:$0x3FB5] =	sst s9;
	s0 =	simm.s32 @!p0 $0x0  }
0x12: {  	s1 =	sld [smem:$0x3F9B];
	s0 =	simm.s32 @p0 $0x1  }
0x13: {  	[smem:$0x3FB6] =	sst s0;
	s0 =	simm.s32 @!p1 $0x0  }
0x14: {  	s2 =	sld [smem:$0x3F9A];
	s0 =	simm.s32 @p1 $0x1  }
0x15: {  	[smem:$0x3FB7] =	sst s0;
	s0 =	simm.s32 @!p2 $0x0  }
0x16: {  	s3 =	sld [smem:$0x3FDB];
	s0 =	simm.s32 @p2 $0x1  }
0x17: {  	s4 =	simm.s32 $0x1BF5;
	[smem:$0x3FB9] =	sst s0  }
0x18: {  	s0 =	sld [smem:$0x3F9C];
	_ =	swait.ge [sflag:s4], $0x0  }
0x19: {  	s7 =	sld [smem:$0x3F9D]  }
0x1a: {  	s8 =	sadd.s32 $0xFFFFE003, lr  }
0x1b: {  	s9 =	sadd.s32 $0xFFFFFEF7, lr;
	s5 =	simm.s32 $0xFFFFFFFF;
	p2 =	slt.u32 s8, $0xFFFFF086  }
0x1c: {  	p1 =	slt.u32 s9, $0xF7A;
	s5 =	simm.s32 @!p2 $0x0  }
0x1d: {  	s5 =	simm.s32 @p1 $0x1;
	p0 =	seq.s32 s7, s2  }
0x1e: {  	s7 =	smul.u32 @!p0 $0xF7A, s2;
	p2 =	seq.s32 @!p0 s5, $0x0  }
0x1f: {  	s9 =	smul.u32 $0xF7A, s1;
	s8 =	simm.s32 @!p0 $0x1BF5;
	p2 =	por !p2, p0  }
0x20: {  	[sflag:s8] =	ssyncset.s32 @!p0 $0xFFFFF086;
	s6 =	sadd.s32 @!p0 s3, s7;
	s7 =	simm.s32 @!p0 $0x108  }
0x21: {  	s3 =	sadd.s32 s3, s9;
	s6 =	sadd.s32 @!p0 $0x88, s6;
	s7 =	simm.s32 @p2 $0x1082  }
0x22: {  	[simem:s7], [sflag:s8] =	dma.local @!p0 [hbm:s6], $0xF7A  }
0x23: {  	s9 =	sor.u32 $0xD0000000, s2;
	s6 =	simm.s32 $0x108;
	_ =	swait.ge @!p0 [sflag:s8], $0x0  }
0x24: {  	s3 =	sadd.s32 $0x88, s3;
	s6 =	simm.s32 @!p1 $0x1082;
	[sflag:s4] =	ssyncset.s32 $0xFFFFF086  }
0x25: {  	[simem:s6], [sflag:s4] =	dma.local [hbm:s3], $0xF7A  }
0x26: {  	[smem:$0x3F9D] =	sst s1;
	(tag) =	ssettag s2;
	_ =	strace s9  }
0x27: {  	s1 =	sld [smem:$0x3FAD]  }
0x28: {  	s2 =	sld [smem:$0x3FAE]  }
0x29: {  	s4 =	sld [smem:$0x3FB0]  }
0x2a: {  	p0 =	seq.s32 s5, $0x0;
	s5 =	sld [smem:$0x3FB1]  }
0x2b: {  	s6 =	sld [smem:$0x3FB2]  }
0x2c: {  	s7 =	sld [smem:$0x3FB3]  }
0x2d: {  	s3 =	simm.s32 $0x108;
	s8 =	sld [smem:$0x3FB4]  }
0x2e: {  	s3 =	simm.s32 @!p0 $0x1082;
	s9 =	sld [smem:$0x3FB5]  }
0x2f: {  	lr =	sadd.s32 s0, s3;
	s0 =	sld [smem:$0x3FAC]  }
0x30: {  	s3 =	sld [smem:$0x3FAF]  }
0x31: {  	[smem:$0x3FB8] =	sst s10  }
0x32: {  	s10 =	sld [smem:$0x3FB6];
	_ =	sdelay $0x3  }
0x33: {  	p0 =	seq.s32 s10, $0x1;
	s10 =	sld [smem:$0x3FB8];
	_ =	sdelay $0x3  }
0x34: {  	[smem:$0x3FB8] =	sst s10  }
0x35: {  	s10 =	sld [smem:$0x3FB7];
	_ =	sdelay $0x3  }
0x36: {  	p1 =	seq.s32 s10, $0x1;
	s10 =	sld [smem:$0x3FB8];
	_ =	sdelay $0x3  }
0x37: {  	[smem:$0x3FB8] =	sst s10  }
0x38: {  	s10 =	sld [smem:$0x3FB9]  }
0x39: {  	_ = 	snop;
	(pc) =	sbr.ind lr, $3  }
0x3a: {  	_ = 	snop  }
0x3b: {  	_ = 	snop  }
0x3c: {  	p2 =	seq.s32 s10, $0x1;
	s10 =	sld [smem:$0x3FB8]  }
0x3d: {  	_ =	shalt  }
0x3e: {  	_ =	shalt  }
0x3f: {  	_ =	shalt  }
0x40: {  	_ =	shalt  }
0x41: {  	_ =	shalt  }
0x42: {  	_ =	shalt  }
0x43: {  	_ =	shalt  }
0x44: {  	_ =	shalt  }
0x45: {  	_ =	shalt  }
0x46: {  	_ =	shalt  }
0x47: {  	_ =	shalt  }
0x48: {  	_ =	shalt  }
0x49: {  	_ =	shalt  }
0x4a: {  	_ =	shalt  }
0x4b: {  	_ =	shalt  }
0x4c: {  	_ =	shalt  }
0x4d: {  	_ =	shalt  }
0x4e: {  	_ =	shalt  }
0x4f: {  	_ =	shalt  }
0x50: {  	_ =	shalt  }
0x51: {  	_ =	shalt  }
0x52: {  	_ =	shalt  }
0x53: {  	_ =	shalt  }
0x54: {  	_ =	shalt  }
0x55: {  	_ =	shalt  }
0x56: {  	_ =	shalt  }
0x57: {  	_ =	shalt  }
0x58: {  	_ =	shalt  }
0x59: {  	_ =	shalt  }
0x5a: {  	_ =	shalt  }
0x5b: {  	_ =	shalt  }
0x5c: {  	_ =	shalt  }
0x5d: {  	_ =	shalt  }
0x5e: {  	_ =	shalt  }
0x5f: {  	_ =	shalt  }
0x60: {  	_ =	shalt  }
0x61: {  	_ =	shalt  }
0x62: {  	_ =	shalt  }
0x63: {  	_ =	shalt  }
0x64: {  	_ =	shalt  }
0x65: {  	_ =	shalt  }
0x66: {  	_ =	shalt  }
0x67: {  	_ =	shalt  }
0x68: {  	_ =	shalt  }
0x69: {  	_ =	shalt  }
0x6a: {  	_ =	shalt  }
0x6b: {  	_ =	shalt  }
0x6c: {  	_ =	shalt  }
0x6d: {  	_ =	shalt  }
0x6e: {  	_ =	shalt  }
0x6f: {  	_ =	shalt  }
0x70: {  	_ =	shalt  }
0x71: {  	_ =	shalt  }
0x72: {  	_ =	shalt  }
0x73: {  	_ =	shalt  }
0x74: {  	_ =	shalt  }
0x75: {  	_ =	shalt  }
0x76: {  	_ =	shalt  }
0x77: {  	_ =	shalt  }
0x78: {  	_ =	shalt  }
0x79: {  	_ =	shalt  }
0x7a: {  	_ =	shalt  }
0x7b: {  	_ =	shalt  }
0x7c: {  	_ =	shalt  }
0x7d: {  	_ =	shalt  }
0x7e: {  	_ =	shalt  }
0x7f: {  	_ =	shalt  }
0x80: {  	_ =	shalt  }
0x81: {  	_ =	shalt  }
0x82: {  	_ =	shalt  }
0x83: {  	_ =	shalt  }
0x84: {  	_ =	shalt  }
0x85: {  	_ =	shalt  }
0x86: {  	_ =	shalt  }
0x87: {  	_ =	shalt  }
.Lfunc_end0:
.L_simem_size_0:
called_computation_lowered:
.L_overlay_start_0:
0x88: {  	s2 =	sld [smem:$0x3FD9]  }
0x89: {  	s3 =	sld [smem:$0x3FFE];
	_ =	sdelay $0x1  }
0x8a: {  	s1 =	srdreg.scid  }
0x8b: {  	s0 =	sand.u32 $0x1, s1  }
0x8c: {  	s17 =	sshll.u32 s0, $0xA;
	s2 =	sadd.s32 s3, s2  }
0x8d: {  	s2 =	sadd.s32 s2, s17  }
0x8e: {  	[smem:$0x3FC4] =	sst s2  }
0x8f: {  	_ = 	snop  }
0x90: {  	s2 =	sld [smem:$0x3FD0];
	(tm) =	ssettm $0x1  }
0x91: {  	s18 =	sld [smem:$0x3FFB];
	_ =	sdelay $0x3  }
0x92: {  	_ =	strace s18  }
0x93: {  	s3 =	sld [smem:$0x3FFC];
	_ =	sdelay $0x3  }
0x94: {  	_ =	strace s3  }
0x95: {  	s3 =	sld [smem:$0x3FFD];
	_ =	sdelay $0x3  }
0x96: {  	_ =	strace s3  }
0x97: {  	_ =	strace $0x8FFFFFFF  }
0x98: {  	s19 =	sld [smem:$0x3FDB];
	_ =	sdelay $0x1  }
0x99: {  	s4 =	simm.s32 $_scs_section_size  }
0x9a: {  	s5 =	simm.s32 $_size__tile_overlayer_lowered;
	s6 =	simm.s32 $_tile_overlayer_lowered  }
0x9b: {  	s22 =	simm.s32 $0x1BFF;
	s21 =	sshll.u32 s6, $0x1;
	s3 =	sadd.s32 s4, s19  }
0x9c: {  	s7 =	simm.s32 $0x0;
	s20 =	sshll.u32 s5, $0x1;
	s5 =	sadd.s32 s21, s3  }
0x9d: {  	[timem:s7], [sflag:s22] =	dma.local [hbm:s5], s20  }
0x9e: {  	_ =	swait.ge [sflag:s22], s20  }
0x9f: {  	s4 =	ssub.s32 $0x0, s20;
	[sflag:s22] =	ssyncset.done $0x0  }
0xa0: {  	[sflag:s22] =	ssyncadd.s32 s4;
	_ =	sdelay $0x1  }
0xa1: {  	s23 =	simm.s32 $0x1B8B  }
0xa2: {  	_ =	swait.ge [sflag:s23], $0x1  }
0xa3: {  	[sflag:s23] =	ssyncset.done $0x0  }
0xa4: {  	s25 =	simm.s32 $0x1B8E;
	s24 =	sld [smem:$0x3FFE];
	[sflag:s23] =	ssyncadd.s32 $0xFFFFFFFF  }
0xa5: {  	s26 =	simm.s32 $execute0_lowered;
	[smem:$0x3FD2] =	sst s25  }
0xa6: {  	s5 =	sshll.u32 s26, $0x1;
	_ =	strace $0x80000046;
	[dreg:$0x1] =	wrdreg $0xFFFFFFFF  }
0xa7: {  	s28 =	simm.s32 $_size_execute0_lowered;
	s3 =	sadd.s32 s3, s5;
	[dreg:$0x0] =	wrdreg $0x0  }
0xa8: {  	s5 =	sshll.u32 s28, $0x1;
	[dreg:$0x2] =	wrdreg s3  }
0xa9: {  	[dreg:$0x3] =	wrdreg s5  }
0xaa: {  	[dreg:$0x4] =	wrdreg $0xC0  }
0xab: {  	_ =	task [dreg:s7], $0x5FFFF  }
0xac: {  	[dreg:$0x1] =	wrdreg $0xFFFFFFFF  }
0xad: {  	[dreg:$0x0] =	wrdreg $0x60  }
0xae: {  	[dreg:$0x2] =	wrdreg s24  }
0xaf: {  	[dreg:$0x3] =	wrdreg s2  }
0xb0: {  	[dreg:$0x4] =	wrdreg $0x9  }
0xb1: {  	_ =	task.clear_ibuf [dreg:s7], $0x5FFFF;
	_ =	strace $0x90000046  }
0xb2: {  	s29 =	simm.s32 $0x9;
	_ =	strace $0x80000048  }
0xb3: {  	_ =	swait.ge [sflag:s29], $0x1  }
0xb4: {  	[sflag:s29] =	ssyncadd.s32 $0xFFFFFFFF  }
0xb5: {  	_ =	strace $0x90000048  }
0xb6: {  	_ =	sfence  }
0xb7: {  	s30 =	sld [smem:$0x0];
	_ =	sdelay $0x2  }
0xb8: {  	s31 =	sshll.u32 s1, $0xD;
	s1 =	sshrl.u32 s1, $0x2  }
0xb9: {  	s3 =	sand.u32 $0x4000, s31;
	s1 =	sadd.s32 s1, s30  }
0xba: {  	s0 =	sor.u32 s3, s0;
	s1 =	sshll.u32 s1, $0x11  }
0xbb: {  	s0 =	sor.u32 s1, s0  }
0xbc: {  	s0 =	sadd.s32 $0x8F2B, s0  }
0xbd: {  	[sflag:s0] =	ssyncadd.remote.s32 $0x1  }
0xbe: {  	_ =	sfence.sel $0xFFFF  }
0xbf: {  	[dreg:$0x0] =	wrdreg $0xFFFFFFFF;
	(pc) =	sbr.abs _section_cstart, $3  }
0xc0: {  	[dreg:$0x1] =	wrdreg $0xFFFFFFFF  }
0xc1: {  	_ =	task.clear_ibuf [dreg:s7], $0x2FFFF;
	_ =	strace $0x9FFFFFFF  }
0xc2: {  	(tm) =	ssettm $0x7FFFFFFF  }
0xc3: {  	_ =	shalt  }
tec
execute0_lowered:
.L_overlay_start_1:
0x0: {  	(tag) =	ssettag $0x1  }
0x1: {  	s1 =	srdreg.scid;
	s3 =	rddreg [dreg:$0x0]  }
0x2: {  	s0 =	stileid.u32;
	s5 =	rddreg [dreg:$0x1]  }
0x3: {  	s2 =	simm.s32 $0x0;
	s9 =	simm.s32 $0x2780;
	s10 =	simm.s32 $0x4F00  }
0x4: {  	s11 =	simm.s32 $0x7700;
	s4 =	sand.u32 $0x1, s1;
	s30 =	sshll.u32 s0, $0x1  }
0x5: {  	s12 =	simm.s32 $0x80;
	s13 =	simm.s32 $0x100;
	s6 =	sor.u32 s4, s30  }
0x6: {  	s1 =	rddreg [dreg:$0x2];
	s4 =	ssub.s32 $0x2, s4;
	s7 =	smul.u32 $0x4E2, s6  }
0x7: {  	[smem:$0x7FF] =	sst s2;
	s6 =	smul.u32 $0xA00, s6;
	s31 =	sshrl.u32 s4, $0x1  }
0x8: {  	_ =	strace $0x80000047;
	s8 =	ssub.s32 s4, s31;
	s7 =	sadd.s32 s7, s3  }
0x9: {  	s4 =	sadd.s32 s5, s6;
	s3 =	sadd.s32 $0xB200, s7;
	s5 =	sadd.s32 $0x1400, s7  }
0xa: {  	v0 =	vimm.f32 $0.0e+00;
	v1 =	vimm.f32 $1.000000000e+00;
	s6 =	sadd.s32 $0x10, s4;
	s7 =	smax.u32 s8, $0x1;
	s8 =	simm.s32 $0x1  }
.LBB2_1:
0xb: {  	s14 =	simm.s32 $0x40;
	s15 =	simm.s32 $0x0  }
.LBB2_2:
0xc: {  	p0 =	sne.s32 s14, $0x9FC0;
	[tilespmem:s15+$0x4F00] =	vst v0;
	s16 =	smov.u32 s14;
	s14 =	sadd.s32 $0x40, s14  }
.Ltmp0:
0xd: {  	[tilespmem:s15+$0x7700] =	vst v0;
	(pc) =	sbr.rel @p0 .LBB2_2-.Ltmp0, $2  }
0xe: {  	_ =	sdelay $0x2  }
0xf: {  	s15 =	sshra.s32 s16, $0x2  }
0x10: {  	[tilespmem:s15+$0x4F00] =	vst v0  }
0x11: {  	[tilespmem:s15+$0x7700] =	vst v0;
	s14 =	simm.s32 $0x0  }
0x12: {  	[tilespmem:s14], [sflag:$0x1] =	stream.linear.gather [hbm4b:s3+s14], $0x2710, $0x38;
	[tilespmem:$0x9F00] =	vst v63  }
0x13: {  	_ =	swait.ge [sflag:s8], $0x2710  }
0x14: {  	[sflag:s8] =	ssyncset.done $0x0  }
0x15: {  	[sflag:s8] =	ssyncadd.s32 $0xFFFFD8F0  }
0x16: {  	[tilespmem:s9], [sflag:$0x1] =	stream.linear.gather [hbm4b:s5+s14], $0x2710, $0x38;
	[tilespmem:$0x9F00] =	vst v63  }
0x17: {  	_ =	swait.ge [sflag:s8], $0x2710  }
0x18: {  	[sflag:s8] =	ssyncset.done $0x0  }
0x19: {  	s15 =	simm.s32 $0x0;
	[sflag:s8] =	ssyncadd.s32 $0xFFFFD8F0  }
0x1a: {  	s14 =	simm.s32 $0x40;
	v2 =	vld [tilespmem:s15+$0x0]  }
.LBB2_4:
0x1b: {  	p0 =	sne.s32 s14, $0x9C00;
	v3 =	vld [tilespmem:s15+$0x2780];
	_ =	sdelay $0x4  }
.Ltmp1:
0x1c: {  	(pc) =	sbr.rel @p0 .LBB2_4-.Ltmp1, $4  }
0x1d: {  	_ = 	snop  }
0x1e: {  	[tilespmem:v2+s10+$0x0] =	vst.idx.add.f32.msk $0xffff, v1  }
0x1f: {  	s15 =	sshra.s32 s14, $0x2;
	[tilespmem:v3+s11+$0x0] =	vst.idx.add.f32.msk $0xffff, v1  }
0x20: {  	s14 =	sadd.s32 $0x40, s14;
	v2 =	vld [tilespmem:s15+$0x0]  }
0x21: {  	_ = 	snop  }
0x22: {  	v3 =	vld [tilespmem:s15+$0x2780];
	_ =	sdelay $0x6  }
0x23: {  	[tilespmem:v2+s10+$0x0] =	vst.idx.add.f32.msk $0xffff, v1  }
0x24: {  	[tilespmem:v3+s11+$0x0] =	vst.idx.add.f32.msk $0xffff, v1  }
0x25: {  	[hbm4b:s4+s12] =	stream.strided.scatter [tilespmem:s10], [sflag:$0x1], $0x2800, s13, s12, $0x38;
	[tilespmem:$0x9F00] =	vst v63  }
0x26: {  	s2 =	sadd.s32 $0x1, s2;
	_ =	swait.ge [sflag:s8], $0x2800  }
0x27: {  	p0 =	sne.s32 s2, s7;
	[sflag:s8] =	ssyncset.done $0x0  }
.Ltmp2:
0x28: {  	[sflag:s8] =	ssyncadd.s32 $0xFFFFD800;
	(pc) =	sbr.rel @p0 .LBB2_1-.Ltmp2, $4  }
0x29: {  	[hbm4b:s6+s12] =	stream.strided.scatter [tilespmem:s11], [sflag:$0x1], $0x2800, s13, s12, $0x38;
	[tilespmem:$0x9F00] =	vst v63  }
0x2a: {  	_ =	swait.ge [sflag:s8], $0x2800  }
0x2b: {  	[sflag:s8] =	ssyncset.done $0x0  }
0x2c: {  	[sflag:s8] =	ssyncadd.s32 $0xFFFFD800  }
0x2d: {  	_ =	sfence.sel $0x180000  }
0x2e: {  	[bflag:$0x0] =	sbarrier.arrive $0xFFFF  }
0x2f: {  	p0 =	sne.s32 s0, $0x0;
	_ =	strace $0x90000047  }
0x30: {  	s0 =	sadd.s32 @!p0 $0x100000, s1;
	[bflag:$0x2] =	sbarrier.arrive $0xFFFF  }
0x31: {  	[sflag:s0] =	ssyncadd.tile.s32 @!p0 $0x1;
	_ =	shalt  }
.Lfunc_end2:
_tile_overlayer_lowered:
.L_overlay_start_2:
0x32: {  	(tag) =	ssettag $0x2  }
0x33: {  	s0 =	rddreg [dreg:$0x0];
	s2 =	stileid.u32  }
0x34: {  	s1 =	rddreg [dreg:$0x1];
	p0 =	sne.s32 s2, $0x0  }
0x35: {  	s3 =	rddreg [dreg:$0x2];
	[bflag:$0x3] =	sbarrier.arrive $0xFFFF;
	s2 =	simm.s32 @!p0 $0x1C01  }
0x36: {  	[timem:s3], [sflag:s2] =	dma.local @!p0 [hbm:s0], s1  }
0x37: {  	s0 =	simm.s32 @!p0 $0x1  }
0x38: {  	_ =	swait.ge @!p0 [sflag:s0], s1  }
0x39: {  	s1 =	ssub.s32 @!p0 $0x0, s1;
	[sflag:s0] =	ssyncset.done @!p0 $0x0  }
0x3a: {  	[sflag:s0] =	ssyncadd.s32 @!p0 s1  }
0x3b: {  	[bflag:$0x3] =	sbarrier.arrive $0xFFFF  }
0x3c: {  	_ =	shalt  }

// kernel: kernel.9.cloned.1.call-start
scs
__scs_entry_jumppad:
0x0: {  	(pc) =	sbr.rel $0x88, $3  }
0x1: {  	(tag) =	ssettag $0x0;
	lr =	simm.s32 $0x1  }
0x2: {  	[smem:$0x3F9D] =	sst lr;
	_ =	strace $0xD0000000  }
0x3: {  	_ = 	snop  }
0x4: {  	_ = 	snop  }
0x5: {  	_ = 	snop  }
0x6: {  	_ = 	snop  }
0x7: {  	_ = 	snop  }
__scs_overlays_trampoline_lowered:
0x8: {  	[smem:$0x3FAC] =	sst s0  }
0x9: {  	[smem:$0x3FAD] =	sst s1  }
0xa: {  	[smem:$0x3FAE] =	sst s2  }
0xb: {  	[smem:$0x3FAF] =	sst s3  }
0xc: {  	[smem:$0x3FB0] =	sst s4  }
0xd: {  	[smem:$0x3FB1] =	sst s5  }
0xe: {  	[smem:$0x3FB2] =	sst s6  }
0xf: {  	[smem:$0x3FB3] =	sst s7  }
0x10: {  	[smem:$0x3FB4] =	sst s8  }
0x11: {  	[smem:$0x3FB5] =	sst s9;
	s0 =	simm.s32 @!p0 $0x0  }
0x12: {  	s1 =	sld [smem:$0x3F9B];
	s0 =	simm.s32 @p0 $0x1  }
0x13: {  	[smem:$0x3FB6] =	sst s0;
	s0 =	simm.s32 @!p1 $0x0  }
0x14: {  	s2 =	sld [smem:$0x3F9A];
	s0 =	simm.s32 @p1 $0x1  }
0x15: {  	[smem:$0x3FB7] =	sst s0;
	s0 =	simm.s32 @!p2 $0x0  }
0x16: {  	s3 =	sld [smem:$0x3FDB];
	s0 =	simm.s32 @p2 $0x1  }
0x17: {  	s4 =	simm.s32 $0x1BF5;
	[smem:$0x3FB9] =	sst s0  }
0x18: {  	s0 =	sld [smem:$0x3F9C];
	_ =	swait.ge [sflag:s4], $0x0  }
0x19: {  	s7 =	sld [smem:$0x3F9D]  }
0x1a: {  	s8 =	sadd.s32 $0xFFFFE003, lr  }
0x1b: {  	s9 =	sadd.s32 $0xFFFFFEF7, lr;
	s5 =	simm.s32 $0xFFFFFFFF;
	p2 =	slt.u32 s8, $0xFFFFF086  }
0x1c: {  	p1 =	slt.u32 s9, $0xF7A;
	s5 =	simm.s32 @!p2 $0x0  }
0x1d: {  	s5 =	simm.s32 @p1 $0x1;
	p0 =	seq.s32 s7, s2  }
0x1e: {  	s7 =	smul.u32 @!p0 $0xF7A, s2;
	p2 =	seq.s32 @!p0 s5, $0x0  }
0x1f: {  	s9 =	smul.u32 $0xF7A, s1;
	s8 =	simm.s32 @!p0 $0x1BF5;
	p2 =	por !p2, p0  }
0x20: {  	[sflag:s8] =	ssyncset.s32 @!p0 $0xFFFFF086;
	s6 =	sadd.s32 @!p0 s3, s7;
	s7 =	simm.s32 @!p0 $0x108  }
0x21: {  	s3 =	sadd.s32 s3, s9;
	s6 =	sadd.s32 @!p0 $0x88, s6;
	s7 =	simm.s32 @p2 $0x1082  }
0x22: {  	[simem:s7], [sflag:s8] =	dma.local @!p0 [hbm:s6], $0xF7A  }
0x23: {  	s9 =	sor.u32 $0xD0000000, s2;
	s6 =	simm.s32 $0x108;
	_ =	swait.ge @!p0 [sflag:s8], $0x0  }
0x24: {  	s3 =	sadd.s32 $0x88, s3;
	s6 =	simm.s32 @!p1 $0x1082;
	[sflag:s4] =	ssyncset.s32 $0xFFFFF086  }
0x25: {  	[simem:s6], [sflag:s4] =	dma.local [hbm:s3], $0xF7A  }
0x26: {  	[smem:$0x3F9D] =	sst s1;
	(tag) =	ssettag s2;
	_ =	strace s9  }
0x27: {  	s1 =	sld [smem:$0x3FAD]  }
0x28: {  	s2 =	sld [smem:$0x3FAE]  }
0x29: {  	s4 =	sld [smem:$0x3FB0]  }
0x2a: {  	p0 =	seq.s32 s5, $0x0;
	s5 =	sld [smem:$0x3FB1]  }
0x2b: {  	s6 =	sld [smem:$0x3FB2]  }
0x2c: {  	s7 =	sld [smem:$0x3FB3]  }
0x2d: {  	s3 =	simm.s32 $0x108;
	s8 =	sld [smem:$0x3FB4]  }
0x2e: {  	s3 =	simm.s32 @!p0 $0x1082;
	s9 =	sld [smem:$0x3FB5]  }
0x2f: {  	lr =	sadd.s32 s0, s3;
	s0 =	sld [smem:$0x3FAC]  }
0x30: {  	s3 =	sld [smem:$0x3FAF]  }
0x31: {  	[smem:$0x3FB8] =	sst s10  }
0x32: {  	s10 =	sld [smem:$0x3FB6];
	_ =	sdelay $0x3  }
0x33: {  	p0 =	seq.s32 s10, $0x1;
	s10 =	sld [smem:$0x3FB8];
	_ =	sdelay $0x3  }
0x34: {  	[smem:$0x3FB8] =	sst s10  }
0x35: {  	s10 =	sld [smem:$0x3FB7];
	_ =	sdelay $0x3  }
0x36: {  	p1 =	seq.s32 s10, $0x1;
	s10 =	sld [smem:$0x3FB8];
	_ =	sdelay $0x3  }
0x37: {  	[smem:$0x3FB8] =	sst s10  }
0x38: {  	s10 =	sld [smem:$0x3FB9]  }
0x39: {  	_ = 	snop;
	(pc) =	sbr.ind lr, $3  }
0x3a: {  	_ = 	snop  }
0x3b: {  	_ = 	snop  }
0x3c: {  	p2 =	seq.s32 s10, $0x1;
	s10 =	sld [smem:$0x3FB8]  }
0x3d: {  	_ =	shalt  }
0x3e: {  	_ =	shalt  }
0x3f: {  	_ =	shalt  }
0x40: {  	_ =	shalt  }
0x41: {  	_ =	shalt  }
0x42: {  	_ =	shalt  }
0x43: {  	_ =	shalt  }
0x44: {  	_ =	shalt  }
0x45: {  	_ =	shalt  }
0x46: {  	_ =	shalt  }
0x47: {  	_ =	shalt  }
0x48: {  	_ =	shalt  }
0x49: {  	_ =	shalt  }
0x4a: {  	_ =	shalt  }
0x4b: {  	_ =	shalt  }
0x4c: {  	_ =	shalt  }
0x4d: {  	_ =	shalt  }
0x4e: {  	_ =	shalt  }
0x4f: {  	_ =	shalt  }
0x50: {  	_ =	shalt  }
0x51: {  	_ =	shalt  }
0x52: {  	_ =	shalt  }
0x53: {  	_ =	shalt  }
0x54: {  	_ =	shalt  }
0x55: {  	_ =	shalt  }
0x56: {  	_ =	shalt  }
0x57: {  	_ =	shalt  }
0x58: {  	_ =	shalt  }
0x59: {  	_ =	shalt  }
0x5a: {  	_ =	shalt  }
0x5b: {  	_ =	shalt  }
0x5c: {  	_ =	shalt  }
0x5d: {  	_ =	shalt  }
0x5e: {  	_ =	shalt  }
0x5f: {  	_ =	shalt  }
0x60: {  	_ =	shalt  }
0x61: {  	_ =	shalt  }
0x62: {  	_ =	shalt  }
0x63: {  	_ =	shalt  }
0x64: {  	_ =	shalt  }
0x65: {  	_ =	shalt  }
0x66: {  	_ =	shalt  }
0x67: {  	_ =	shalt  }
0x68: {  	_ =	shalt  }
0x69: {  	_ =	shalt  }
0x6a: {  	_ =	shalt  }
0x6b: {  	_ =	shalt  }
0x6c: {  	_ =	shalt  }
0x6d: {  	_ =	shalt  }
0x6e: {  	_ =	shalt  }
0x6f: {  	_ =	shalt  }
0x70: {  	_ =	shalt  }
0x71: {  	_ =	shalt  }
0x72: {  	_ =	shalt  }
0x73: {  	_ =	shalt  }
0x74: {  	_ =	shalt  }
0x75: {  	_ =	shalt  }
0x76: {  	_ =	shalt  }
0x77: {  	_ =	shalt  }
0x78: {  	_ =	shalt  }
0x79: {  	_ =	shalt  }
0x7a: {  	_ =	shalt  }
0x7b: {  	_ =	shalt  }
0x7c: {  	_ =	shalt  }
0x7d: {  	_ =	shalt  }
0x7e: {  	_ =	shalt  }
0x7f: {  	_ =	shalt  }
0x80: {  	_ =	shalt  }
0x81: {  	_ =	shalt  }
0x82: {  	_ =	shalt  }
0x83: {  	_ =	shalt  }
0x84: {  	_ =	shalt  }
0x85: {  	_ =	shalt  }
0x86: {  	_ =	shalt  }
0x87: {  	_ =	shalt  }
.Lfunc_end0:
.L_simem_size_0:
called_computation.1_lowered:
.L_overlay_start_0:
0x88: {  	s2 =	sld [smem:$0x3FD9]  }
0x89: {  	s3 =	sld [smem:$0x3FFE];
	_ =	sdelay $0x1  }
0x8a: {  	s1 =	srdreg.scid  }
0x8b: {  	s0 =	sand.u32 $0x1, s1  }
0x8c: {  	s17 =	sshll.u32 s0, $0xA;
	s2 =	sadd.s32 s3, s2  }
0x8d: {  	s2 =	sadd.s32 s2, s17  }
0x8e: {  	[smem:$0x3FC4] =	sst s2  }
0x8f: {  	_ = 	snop  }
0x90: {  	s2 =	sld [smem:$0x3FD0];
	(tm) =	ssettm $0x1  }
0x91: {  	s18 =	sld [smem:$0x3FFB];
	_ =	sdelay $0x3  }
0x92: {  	_ =	strace s18  }
0x93: {  	s3 =	sld [smem:$0x3FFC];
	_ =	sdelay $0x3  }
0x94: {  	_ =	strace s3  }
0x95: {  	s3 =	sld [smem:$0x3FFD];
	_ =	sdelay $0x3  }
0x96: {  	_ =	strace s3  }
0x97: {  	_ =	strace $0x8FFFFFFF  }
0x98: {  	s19 =	sld [smem:$0x3FDB];
	_ =	sdelay $0x1  }
0x99: {  	s4 =	simm.s32 $_scs_section_size  }
0x9a: {  	s5 =	simm.s32 $_size__tile_overlayer_lowered;
	s6 =	simm.s32 $_tile_overlayer_lowered  }
0x9b: {  	s22 =	simm.s32 $0x1BFF;
	s21 =	sshll.u32 s6, $0x1;
	s3 =	sadd.s32 s4, s19  }
0x9c: {  	s7 =	simm.s32 $0x0;
	s20 =	sshll.u32 s5, $0x1;
	s5 =	sadd.s32 s21, s3  }
0x9d: {  	[timem:s7], [sflag:s22] =	dma.local [hbm:s5], s20  }
0x9e: {  	_ =	swait.ge [sflag:s22], s20  }
0x9f: {  	s4 =	ssub.s32 $0x0, s20;
	[sflag:s22] =	ssyncset.done $0x0  }
0xa0: {  	[sflag:s22] =	ssyncadd.s32 s4;
	_ =	sdelay $0x1  }
0xa1: {  	s23 =	simm.s32 $0x1B8B  }
0xa2: {  	_ =	swait.ge [sflag:s23], $0x1  }
0xa3: {  	[sflag:s23] =	ssyncset.done $0x0  }
0xa4: {  	s25 =	simm.s32 $0x1B8E;
	s24 =	sld [smem:$0x3FFE];
	[sflag:s23] =	ssyncadd.s32 $0xFFFFFFFF  }
0xa5: {  	s26 =	simm.s32 $execute0_lowered;
	[smem:$0x3FD2] =	sst s25  }
0xa6: {  	s5 =	sshll.u32 s26, $0x1;
	_ =	strace $0x80000049;
	[dreg:$0x1] =	wrdreg $0xFFFFFFFF  }
0xa7: {  	s28 =	simm.s32 $_size_execute0_lowered;
	s3 =	sadd.s32 s3, s5;
	[dreg:$0x0] =	wrdreg $0x0  }
0xa8: {  	s5 =	sshll.u32 s28, $0x1;
	[dreg:$0x2] =	wrdreg s3  }
0xa9: {  	[dreg:$0x3] =	wrdreg s5  }
0xaa: {  	[dreg:$0x4] =	wrdreg $0xC0  }
0xab: {  	_ =	task [dreg:s7], $0x5FFFF  }
0xac: {  	[dreg:$0x1] =	wrdreg $0xFFFFFFFF  }
0xad: {  	[dreg:$0x0] =	wrdreg $0x60  }
0xae: {  	[dreg:$0x2] =	wrdreg s2  }
0xaf: {  	[dreg:$0x3] =	wrdreg s24  }
0xb0: {  	[dreg:$0x4] =	wrdreg $0x69000  }
0xb1: {  	[dreg:$0x5] =	wrdreg $0x9  }
0xb2: {  	_ =	task.clear_ibuf [dreg:s7], $0x6FFFF;
	_ =	strace $0x90000049  }
0xb3: {  	s29 =	simm.s32 $0x9;
	_ =	strace $0x8000004B  }
0xb4: {  	_ =	swait.ge [sflag:s29], $0x1  }
0xb5: {  	[sflag:s29] =	ssyncadd.s32 $0xFFFFFFFF  }
0xb6: {  	_ =	strace $0x9000004B  }
0xb7: {  	_ =	sfence  }
0xb8: {  	s30 =	sld [smem:$0x0];
	_ =	sdelay $0x2  }
0xb9: {  	s31 =	sshll.u32 s1, $0xD;
	s1 =	sshrl.u32 s1, $0x2  }
0xba: {  	s3 =	sand.u32 $0x4000, s31;
	s1 =	sadd.s32 s1, s30  }
0xbb: {  	s0 =	sor.u32 s3, s0;
	s1 =	sshll.u32 s1, $0x11  }
0xbc: {  	s0 =	sor.u32 s1, s0  }
0xbd: {  	s0 =	sadd.s32 $0x8F2B, s0  }
0xbe: {  	[sflag:s0] =	ssyncadd.remote.s32 $0x1  }
0xbf: {  	_ =	sfence.sel $0xFFFF  }
0xc0: {  	[dreg:$0x0] =	wrdreg $0xFFFFFFFF;
	(pc) =	sbr.abs _section_cstart, $3  }
0xc1: {  	[dreg:$0x1] =	wrdreg $0xFFFFFFFF  }
0xc2: {  	_ =	task.clear_ibuf [dreg:s7], $0x2FFFF;
	_ =	strace $0x9FFFFFFF  }
0xc3: {  	(tm) =	ssettm $0x7FFFFFFF  }
tec
execute0_lowered:
.L_overlay_start_1:
0x0: {  	(tag) =	ssettag $0x1  }
0x1: {  	s1 =	rddreg [dreg:$0x0]  }
0x2: {  	s2 =	rddreg [dreg:$0x1]  }
0x3: {  	s4 =	srdreg.scid;
	s0 =	stileid.u32  }
0x4: {  	s3 =	rddreg [dreg:$0x2];
	s22 =	simm.s32 $0x2900;
	s6 =	smul.u32 $0x4E20, s0  }
0x5: {  	s23 =	simm.s32 $0x2;
	s28 =	simm.s32 $0x1;
	s8 =	smul.u32 $0x50000, s0  }
0x6: {  	s5 =	sand.u32 $0x1, s4;
	s4 =	simm.s32 $0x0;
	s15 =	smul.u32 $0x14000, s0  }
0x7: {  	s29 =	simm.s32 $0x0;
	s7 =	smul.u32 $0x2710, s5;
	[smem:$0x7FF] =	sst s4  }
0x8: {  	s24 =	ssub.s32 $0x2, s5;
	s16 =	smul.u32 $0x140000, s5;
	_ =	strace $0x8000004A  }
0x9: {  	s25 =	sshrl.u32 s24, $0x1;
	s26 =	sshrl.u32 s8, $0x2;
	s12 =	sadd.s32 $0x4000, s15  }
0xa: {  	s17 =	sadd.s32 $0x8000, s15;
	s18 =	sadd.s32 $0xC000, s15;
	s19 =	sadd.s32 $0x10000, s15  }
0xb: {  	s6 =	sadd.s32 s7, s6;
	s5 =	sadd.s32 s26, s3;
	s10 =	sadd.s32 s16, s15  }
0xc: {  	s13 =	sadd.s32 s16, s12;
	s12 =	sadd.s32 s12, s3;
	s14 =	sadd.s32 s17, s3  }
0xd: {  	s17 =	sadd.s32 s16, s17;
	s31 =	sadd.s32 s16, s18;
	s20 =	sadd.s32 s16, s19  }
0xe: {  	s16 =	sadd.s32 s18, s3;
	s18 =	sadd.s32 s19, s3;
	s26 =	simm.s32 $0x100  }
0xf: {  	s6 =	sshrl.u32 s6, $0x3;
	s7 =	sadd.s32 $0x4000, s5;
	s8 =	sadd.s32 $0x8000, s5  }
0x10: {  	s9 =	sadd.s32 $0xC000, s5;
	s11 =	sshrl.u32 s10, $0x3;
	s10 =	sadd.s32 $0x10000, s5  }
0x11: {  	s13 =	sshrl.u32 s13, $0x3;
	s17 =	sshrl.u32 s17, $0x3;
	s20 =	sshrl.u32 s20, $0x3  }
0x12: {  	s21 =	sadd.s32 s6, s2;
	s6 =	ssub.s32 s24, s25;
	s2 =	sadd.s32 $0x15000, s2  }
0x13: {  	s24 =	simm.s32 $0x80;
	s25 =	simm.s32 $0x50;
	s30 =	smax.u32 s6, $0x1  }
0x14: {  	s11 =	sadd.s32 s2, s11;
	s13 =	sadd.s32 s2, s13;
	s15 =	sadd.s32 s2, s17  }
0x15: {  	s17 =	sshrl.u32 s31, $0x3;
	s19 =	sadd.s32 s2, s20;
	s20 =	sadd.s32 $0x1400, s21  }
0x16: {  	v0 =	vimm.f32 $0.0e+00;
	s21 =	sadd.s32 $0xB200, s21;
	[dreg:$0x4] =	wrdreg s30;
	s17 =	sadd.s32 s2, s17  }
.LBB2_1:
0x17: {  	s2 =	sand.u32 $0xFE00, s4  }
0x18: {  	s31 =	sand.u32 $0x70, s4;
	s2 =	sshrl.u32 s2, $0x2  }
0x19: {  	s30 =	simm.s32 $0x40;
	s2 =	sor.u32 s31, s2;
	s31 =	simm.s32 $0x0  }
.LBB2_2:
0x1a: {  	p0 =	sne.s32 s30, $0xFFC0  }
0x1b: {  	[tilespmem:s2+$0x2900] =	vst v0;
	s31 =	sadd.s32 $0x10, s31;
	s2 =	smov.u32 s30;
	s30 =	sadd.s32 $0x40, s30  }
.Ltmp0:
0x1c: {  	(pc) =	sbr.rel @p0 .LBB2_2-.Ltmp0, $4  }
0x1d: {  	_ = 	snop  }
0x1e: {  	s2 =	sand.u32 $0xFE00, s2  }
0x1f: {  	s0 =	sand.u32 $0x70, s31;
	s2 =	sshrl.u32 s2, $0x2  }
0x20: {  	s2 =	sor.u32 s0, s2  }
0x21: {  	[tilespmem:s2+$0x2900] =	vst v0  }
0x22: {  	[spmem:s5] =	stream.linear.scatter [tilespmem:s22], [sflag:$0x2], $0x4000, $0x38;
	[tilespmem:$0x1A900] =	vst v63  }
0x23: {  	_ =	swait.ge [sflag:s23], $0x4000  }
0x24: {  	[sflag:s23] =	ssyncset.done $0x0  }
0x25: {  	[sflag:s23] =	ssyncadd.s32 $0xFFFFC000  }
0x26: {  	[spmem:s7] =	stream.linear.scatter [tilespmem:s22], [sflag:$0x2], $0x4000, $0x38;
	[tilespmem:$0x1A900] =	vst v63  }
0x27: {  	_ =	swait.ge [sflag:s23], $0x4000  }
0x28: {  	[sflag:s23] =	ssyncset.done $0x0  }
0x29: {  	[sflag:s23] =	ssyncadd.s32 $0xFFFFC000  }
0x2a: {  	[spmem:s8] =	stream.linear.scatter [tilespmem:s22], [sflag:$0x2], $0x4000, $0x38;
	[tilespmem:$0x1A900] =	vst v63  }
0x2b: {  	_ =	swait.ge [sflag:s23], $0x4000  }
0x2c: {  	[sflag:s23] =	ssyncset.done $0x0  }
0x2d: {  	[sflag:s23] =	ssyncadd.s32 $0xFFFFC000  }
0x2e: {  	[spmem:s9] =	stream.linear.scatter [tilespmem:s22], [sflag:$0x2], $0x4000, $0x38;
	[tilespmem:$0x1A900] =	vst v63  }
0x2f: {  	_ =	swait.ge [sflag:s23], $0x4000  }
0x30: {  	[sflag:s23] =	ssyncset.done $0x0  }
0x31: {  	[sflag:s23] =	ssyncadd.s32 $0xFFFFC000  }
0x32: {  	[spmem:s10] =	stream.linear.scatter [tilespmem:s22], [sflag:$0x2], $0x4000, $0x38;
	[tilespmem:$0x1A900] =	vst v63  }
0x33: {  	_ =	swait.ge [sflag:s23], $0x4000  }
0x34: {  	[sflag:s23] =	ssyncset.done $0x0  }
0x35: {  	[sflag:s23] =	ssyncadd.s32 $0xFFFFC000  }
0x36: {  	s0 =	sadd.s32 $0x0, s21;
	[bflag:$0x0] =	sbarrier.arrive $0xFFFF  }
0x37: {  	[tilespmem:s4], [sflag:$0x2] =	stream.linear.gather [hbm4b:s0+s4], $0x50, $0x38;
	[tilespmem:$0x1A900] =	vst v63  }
0x38: {  	_ =	swait.ge [sflag:s23], $0x50  }
0x39: {  	[sflag:s23] =	ssyncset.done $0x0  }
0x3a: {  	s6 =	sadd.s32 $0x0, s20;
	[sflag:s23] =	ssyncadd.s32 $0xFFFFFFB0  }
0x3b: {  	[tilespmem:s24], [sflag:$0x2] =	stream.linear.gather [hbm4b:s6+s4], $0x50, $0x38;
	[tilespmem:$0x1A900] =	vst v63  }
0x3c: {  	_ =	swait.ge [sflag:s23], $0x50  }
0x3d: {  	[sflag:s23] =	ssyncset.done $0x0  }
0x3e: {  	[sflag:s23] =	ssyncadd.s32 $0xFFFFFFB0  }
0x3f: {  	[tilespmem:s26], [sflag:$0x1] =	stream.indirect.gather [hbm4b:s1+s25], $0x80, s4, s25, $0xb8;
	[tilespmem:$0x1A900] =	vst v63  }
0x40: {  	_ =	swait.ge [sflag:s28], $0x2800  }
0x41: {  	[sflag:s28] =	ssyncset.done $0x0  }
0x42: {  	[sflag:s28] =	ssyncadd.s32 $0xFFFFD800  }
0x43: {  	[spmem:s3] =	stream.indirect.scatter.add.f32 [tilespmem:s26], [sflag:$0x2], $0x80, s24, s25, $0xb8;
	[tilespmem:$0x1A900] =	vst v63  }
0x44: {  	_ =	swait.ge [sflag:s23], $0x2800  }
0x45: {  	s30 =	simm.s32 $0xA;
	s31 =	simm.s32 $0x14;
	[sflag:s23] =	ssyncset.done $0x0  }
.LBB2_4:
0x46: {  	s0 =	sadd.s32 s30, s21  }
0x47: {  	[sflag:s23] =	ssyncadd.s32 $0xFFFFD800;
	s2 =	smov.u32 s31;
	s6 =	sadd.s32 $0xA, s31  }
0x48: {  	[tilespmem:s4], [sflag:$0x2] =	stream.linear.gather [hbm4b:s0+s4], $0x50, $0x38;
	[tilespmem:$0x1A900] =	vst v63  }
0x49: {  	p0 =	sne.s32 s31, $0x4D8;
	_ =	swait.ge [sflag:s23], $0x50  }
0x4a: {  	[sflag:s23] =	ssyncset.done $0x0  }
0x4b: {  	s0 =	sadd.s32 s30, s20;
	s30 =	smov.u32 s2;
	[sflag:s23] =	ssyncadd.s32 $0xFFFFFFB0  }
0x4c: {  	[tilespmem:s24], [sflag:$0x2] =	stream.linear.gather [hbm4b:s0+s4], $0x50, $0x38;
	[tilespmem:$0x1A900] =	vst v63  }
0x4d: {  	_ =	swait.ge [sflag:s23], $0x50  }
0x4e: {  	[sflag:s23] =	ssyncset.done $0x0  }
0x4f: {  	[sflag:s23] =	ssyncadd.s32 $0xFFFFFFB0  }
0x50: {  	[tilespmem:s26], [sflag:$0x1] =	stream.indirect.gather [hbm4b:s1+s25], $0x80, s4, s25, $0xb8;
	[tilespmem:$0x1A900] =	vst v63  }
0x51: {  	_ =	swait.ge [sflag:s28], $0x2800  }
.Ltmp1:
0x52: {  	[sflag:s28] =	ssyncset.done $0x0;
	(pc) =	sbr.rel @p0 .LBB2_4-.Ltmp1, $4  }
0x53: {  	[sflag:s28] =	ssyncadd.s32 $0xFFFFD800  }
0x54: {  	[spmem:s3] =	stream.indirect.scatter.add.f32 [tilespmem:s26], [sflag:$0x2], $0x80, s24, s25, $0xb8;
	[tilespmem:$0x1A900] =	vst v63  }
0x55: {  	_ =	swait.ge [sflag:s23], $0x2800  }
0x56: {  	s31 =	smov.u32 s6;
	[sflag:s23] =	ssyncset.done $0x0  }
0x57: {  	s0 =	sadd.s32 s30, s21;
	[sflag:s23] =	ssyncadd.s32 $0xFFFFD800  }
0x58: {  	[tilespmem:s4], [sflag:$0x2] =	stream.linear.gather [hbm4b:s0+s4], $0x50, $0x38;
	[tilespmem:$0x1A900] =	vst v63  }
0x59: {  	_ =	swait.ge [sflag:s23], $0x50  }
0x5a: {  	[sflag:s23] =	ssyncset.done $0x0  }
0x5b: {  	s30 =	sadd.s32 s30, s20;
	[sflag:s23] =	ssyncadd.s32 $0xFFFFFFB0  }
0x5c: {  	[tilespmem:s24], [sflag:$0x2] =	stream.linear.gather [hbm4b:s30+s4], $0x50, $0x38;
	[tilespmem:$0x1A900] =	vst v63  }
0x5d: {  	_ =	swait.ge [sflag:s23], $0x50  }
0x5e: {  	[sflag:s23] =	ssyncset.done $0x0  }
0x5f: {  	[sflag:s23] =	ssyncadd.s32 $0xFFFFFFB0  }
0x60: {  	[tilespmem:s26], [sflag:$0x1] =	stream.indirect.gather [hbm4b:s1+s25], $0x80, s4, s25, $0xb8;
	[tilespmem:$0x1A900] =	vst v63  }
0x61: {  	_ =	swait.ge [sflag:s28], $0x2800  }
0x62: {  	[sflag:s28] =	ssyncset.done $0x0  }
0x63: {  	[sflag:s28] =	ssyncadd.s32 $0xFFFFD800  }
0x64: {  	[spmem:s3] =	stream.indirect.scatter.add.f32 [tilespmem:s26], [sflag:$0x2], $0x80, s24, s25, $0xb8;
	[tilespmem:$0x1A900] =	vst v63  }
0x65: {  	_ =	swait.ge [sflag:s23], $0x2800  }
0x66: {  	[sflag:s23] =	ssyncset.done $0x0  }
0x67: {  	[sflag:s23] =	ssyncadd.s32 $0xFFFFD800  }
0x68: {  	[bflag:$0x0] =	sbarrier.arrive $0xFFFF  }
0x69: {  	[tilespmem:s22], [sflag:$0x2] =	stream.linear.gather [spmem:s5], $0x4000, $0x38;
	[tilespmem:$0x1A900] =	vst v63  }
0x6a: {  	_ =	swait.ge [sflag:s23], $0x4000  }
0x6b: {  	[sflag:s23] =	ssyncset.done $0x0  }
0x6c: {  	[sflag:s23] =	ssyncadd.s32 $0xFFFFC000  }
0x6d: {  	[hbm4b:s11+s4] =	stream.linear.scatter [tilespmem:s22], [sflag:$0x2], $0x4000, $0x38;
	[tilespmem:$0x1A900] =	vst v63  }
0x6e: {  	_ =	swait.ge [sflag:s23], $0x4000  }
0x6f: {  	[sflag:s23] =	ssyncset.done $0x0  }
0x70: {  	[sflag:s23] =	ssyncadd.s32 $0xFFFFC000  }
0x71: {  	[tilespmem:s22], [sflag:$0x2] =	stream.linear.gather [spmem:s12], $0x4000, $0x38;
	[tilespmem:$0x1A900] =	vst v63  }
0x72: {  	_ =	swait.ge [sflag:s23], $0x4000  }
0x73: {  	[sflag:s23] =	ssyncset.done $0x0  }
0x74: {  	[sflag:s23] =	ssyncadd.s32 $0xFFFFC000  }
0x75: {  	[hbm4b:s13+s4] =	stream.linear.scatter [tilespmem:s22], [sflag:$0x2], $0x4000, $0x38;
	[tilespmem:$0x1A900] =	vst v63  }
0x76: {  	_ =	swait.ge [sflag:s23], $0x4000  }
0x77: {  	[sflag:s23] =	ssyncset.done $0x0  }
0x78: {  	[sflag:s23] =	ssyncadd.s32 $0xFFFFC000  }
0x79: {  	[tilespmem:s22], [sflag:$0x2] =	stream.linear.gather [spmem:s14], $0x4000, $0x38;
	[tilespmem:$0x1A900] =	vst v63  }
0x7a: {  	_ =	swait.ge [sflag:s23], $0x4000  }
0x7b: {  	[sflag:s23] =	ssyncset.done $0x0  }
0x7c: {  	[sflag:s23] =	ssyncadd.s32 $0xFFFFC000  }
0x7d: {  	[hbm4b:s15+s4] =	stream.linear.scatter [tilespmem:s22], [sflag:$0x2], $0x4000, $0x38;
	[tilespmem:$0x1A900] =	vst v63  }
0x7e: {  	_ =	swait.ge [sflag:s23], $0x4000  }
0x7f: {  	[sflag:s23] =	ssyncset.done $0x0  }
0x80: {  	[sflag:s23] =	ssyncadd.s32 $0xFFFFC000  }
0x81: {  	[tilespmem:s22], [sflag:$0x2] =	stream.linear.gather [spmem:s16], $0x4000, $0x38;
	[tilespmem:$0x1A900] =	vst v63  }
0x82: {  	_ =	swait.ge [sflag:s23], $0x4000  }
0x83: {  	[sflag:s23] =	ssyncset.done $0x0  }
0x84: {  	[sflag:s23] =	ssyncadd.s32 $0xFFFFC000  }
0x85: {  	[hbm4b:s17+s4] =	stream.linear.scatter [tilespmem:s22], [sflag:$0x2], $0x4000, $0x38;
	[tilespmem:$0x1A900] =	vst v63  }
0x86: {  	_ =	swait.ge [sflag:s23], $0x4000  }
0x87: {  	[sflag:s23] =	ssyncset.done $0x0  }
0x88: {  	[sflag:s23] =	ssyncadd.s32 $0xFFFFC000  }
0x89: {  	[tilespmem:s22], [sflag:$0x2] =	stream.linear.gather [spmem:s18], $0x4000, $0x38;
	[tilespmem:$0x1A900] =	vst v63  }
0x8a: {  	_ =	swait.ge [sflag:s23], $0x4000  }
0x8b: {  	[sflag:s23] =	ssyncset.done $0x0  }
0x8c: {  	[sflag:s23] =	ssyncadd.s32 $0xFFFFC000  }
0x8d: {  	[hbm4b:s19+s4] =	stream.linear.scatter [tilespmem:s22], [sflag:$0x2], $0x4000, $0x38;
	[tilespmem:$0x1A900] =	vst v63  }
0x8e: {  	_ =	swait.ge [sflag:s23], $0x4000  }
0x8f: {  	s29 =	sadd.s32 $0x1, s29;
	s31 =	rddreg [dreg:$0x4]  }
0x90: {  	p0 =	sne.s32 s29, s31  }
.Ltmp2:
0x91: {  	_ = 	snop;
	(pc) =	sbr.rel @p0 .LBB2_1-.Ltmp2, $3  }
0x92: {  	_ =	sdelay $0x1  }
0x93: {  	[sflag:s23] =	ssyncset.done $0x0  }
0x94: {  	[sflag:s23] =	ssyncadd.s32 $0xFFFFC000  }
0x95: {  	_ =	sfence.sel $0x180000  }
0x96: {  	[bflag:$0x0] =	sbarrier.arrive $0xFFFF  }
0x97: {  	_ =	strace $0x9000004A  }
0x98: {  	s0 =	stileid.u32;
	[bflag:$0x2] =	sbarrier.arrive $0xFFFF  }
0x99: {  	p0 =	sne.s32 s0, $0x0;
	s0 =	rddreg [dreg:$0x3]  }
0x9a: {  	s0 =	sadd.s32 @!p0 $0x100000, s0  }
0x9b: {  	[sflag:s0] =	ssyncadd.tile.s32 @!p0 $0x1;
	_ =	shalt  }
.Lfunc_end2:
_tile_overlayer_lowered:
.L_overlay_start_2:
0x9c: {  	(tag) =	ssettag $0x2  }
0x9d: {  	s0 =	rddreg [dreg:$0x0];
	s2 =	stileid.u32  }
0x9e: {  	s1 =	rddreg [dreg:$0x1];
	p0 =	sne.s32 s2, $0x0  }
0x9f: {  	s3 =	rddreg [dreg:$0x2];
	[bflag:$0x3] =	sbarrier.arrive $0xFFFF;
	s2 =	simm.s32 @!p0 $0x1C02  }
0xa0: {  	[timem:s3], [sflag:s2] =	dma.local @!p0 [hbm:s0], s1  }
0xa1: {  	s0 =	simm.s32 @!p0 $0x2  }
0xa2: {  	_ =	swait.ge @!p0 [sflag:s0], s1  }
0xa3: {  	s1 =	ssub.s32 @!p0 $0x0, s1;
	[sflag:s0] =	ssyncset.done @!p0 $0x0  }
0xa4: {  	[sflag:s0] =	ssyncadd.s32 @!p0 s1  }
0xa5: {  	[bflag:$0x3] =	sbarrier.arrive $0xFFFF  }
0xa6: {  	_ =	shalt  }

</sc_bundles>
